<compile_context>
chip_gen: v7x
topology: tpu7x:2x2x1
jax: 0.10.2.dev20260603
libtpu: 0.0.44.dev20260713+nightly
codegen_flags: <defaults>
</compile_context>

<pallas_src>
import functools
import jax
import jax.numpy as jnp
from jax import lax
from jax.experimental import pallas as pl
from jax.experimental.pallas import tpu as pltpu
from jax.experimental.pallas import tpu_sc as plsc

D = 128
BOS = 98
L = 4
S = L + 1


def kernel(actions, action_table):
    B = actions.shape[0]
    NC, NS = 2, 16
    NW = NC * NS
    R = B * S // 128
    r_per_w = R // NW
    K = 1
    NBUF = 6
    n_step = (r_per_w + K - 1) // K

    table_aug = jnp.concatenate(
        [action_table, jnp.broadcast_to(action_table[BOS], (29, D))], axis=0
    )
    bos_ids = BOS + (jnp.arange(B, dtype=jnp.int32) % 30)
    fidx = jnp.concatenate(
        [bos_ids[:, None], actions.astype(jnp.int32)], axis=1
    ).reshape(NW, r_per_w, 128)

    mesh = plsc.VectorSubcoreMesh(core_axis_name="c", subcore_axis_name="s")

    @functools.partial(
        pl.kernel,
        out_type=jax.ShapeDtypeStruct((R, 128, D), jnp.float32),
        mesh=mesh,
        scratch_types=[
            pltpu.VMEM_SHARED((128, D), jnp.float32),
            pltpu.VMEM((1, r_per_w, 128), jnp.int32),
            [pltpu.VMEM((K, 128, D), jnp.float32) for _ in range(NBUF)],
            [pltpu.SemaphoreType.DMA for _ in range(NBUF)],
            [pltpu.SemaphoreType.DMA for _ in range(NBUF)],
        ],
    )
    def emb_kernel(fidx_hbm, table_hbm, out_hbm, tab_s, idx_v, bufs, gsems, wsems):
        sid = lax.axis_index("s")
        wid = sid * NC + lax.axis_index("c")
        row0 = wid * r_per_w

        @pl.when(sid == 0)
        def _():
            pltpu.sync_copy(table_hbm, tab_s)

        pltpu.sync_copy(fidx_hbm.at[pl.ds(wid, 1)], idx_v)
        plsc.subcore_barrier()

        def start_gathers(i, b):
            rows = min(K, r_per_w - i * K)
            return [
                pltpu.async_copy(
                    tab_s.at[idx_v.at[0, i * K + j]],
                    bufs[b].at[j],
                    gsems[b],
                )
                for j in range(rows)
            ]

        G = 3
        gathers = {i: start_gathers(i, i % NBUF) for i in range(min(G, n_step))}
        writes = {}
        for i in range(n_step):
            b = i % NBUF
            for cp in gathers.pop(i):
                cp.wait()
            rows = min(K, r_per_w - i * K)
            writes[i] = pltpu.async_copy(
                bufs[b].at[pl.ds(0, rows)],
                out_hbm.at[pl.ds(row0 + i * K, rows)],
                wsems[b],
            )
            j = i + G
            if j < n_step:
                if j >= NBUF:
                    writes.pop(j - NBUF).wait()
                gathers[j] = start_gathers(j, j % NBUF)
        for i in sorted(writes):
            writes.pop(i).wait()

    out = emb_kernel(fidx, table_aug)
    return out.reshape(B, S, D)

# --- scband reference (transcript-rebuilt; emitter-appended) ---
"""Pipeline reference for scband-actions-emb-40261023432786 (READ-ONLY COPY).

The authoritative reference and input builder live on the scoring server;
editing this copy changes nothing except your own understanding.
"""

import jax, jax.numpy as jnp
import numpy as np

D = 128
B = 16384
L = 4  # max_proof_len - 1

def setup_inputs(seed: int = 0) -> dict:
    key = jax.random.key(seed)
    k1, k2 = jax.random.split(key)
    actions = jax.random.randint(k1, (B, L), 0, 98, dtype=jnp.int32)
    action_table = jax.random.normal(k2, (99, D), dtype=jnp.float32)
    return {"actions": actions, "action_table": action_table}

def reference(actions, action_table):
    # integer-action path of Actions_Emb.forward:
    # each action id embedded via action_embedding; BOS (id 98) prepended
    emb = jnp.take(action_table, actions, axis=0)            # [B, L, D]
    bos = jnp.broadcast_to(action_table[98][None, None, :], (actions.shape[0], 1, action_table.shape[1]))  # [B, 1, D]
    return jnp.concatenate([bos, emb], axis=1)               # [B, L+1, D]

if __name__ == "__main__":
    import jax
    _d = setup_inputs()
    print(jax.jit(kernel)(*tuple(_d.values())))

</pallas_src>

<mosaic_0001>
#map = affine_map<(d0, d1) -> (0, 0, 0)>
#map1 = affine_map<(d0, d1) -> (0, 0)>
module attributes {stable_mosaic.version = 14 : i64} {
  func.func @emb_kernel(%arg0: i32, %arg1: i32, %arg2: memref<32x20x128xi32, #tpu.memory_space<hbm>>, %arg3: memref<128x128xf32, #tpu.memory_space<hbm>>, %arg4: memref<640x128x128xf32, #tpu.memory_space<hbm>>, %arg5: memref<128x128xf32, #tpu.memory_space<vmem_shared>>, %arg6: memref<1x20x128xi32, #tpu.memory_space<vmem>>, %arg7: memref<1x128x128xf32, #tpu.memory_space<vmem>>, %arg8: memref<1x128x128xf32, #tpu.memory_space<vmem>>, %arg9: memref<1x128x128xf32, #tpu.memory_space<vmem>>, %arg10: memref<1x128x128xf32, #tpu.memory_space<vmem>>, %arg11: memref<1x128x128xf32, #tpu.memory_space<vmem>>, %arg12: memref<1x128x128xf32, #tpu.memory_space<vmem>>, %arg13: memref<!tpu.dma_semaphore, #tpu.memory_space<semaphore_mem>>, %arg14: memref<!tpu.dma_semaphore, #tpu.memory_space<semaphore_mem>>, %arg15: memref<!tpu.dma_semaphore, #tpu.memory_space<semaphore_mem>>, %arg16: memref<!tpu.dma_semaphore, #tpu.memory_space<semaphore_mem>>, %arg17: memref<!tpu.dma_semaphore, #tpu.memory_space<semaphore_mem>>, %arg18: memref<!tpu.dma_semaphore, #tpu.memory_space<semaphore_mem>>, %arg19: memref<!tpu.dma_semaphore, #tpu.memory_space<semaphore_mem>>, %arg20: memref<!tpu.dma_semaphore, #tpu.memory_space<semaphore_mem>>, %arg21: memref<!tpu.dma_semaphore, #tpu.memory_space<semaphore_mem>>, %arg22: memref<!tpu.dma_semaphore, #tpu.memory_space<semaphore_mem>>, %arg23: memref<!tpu.dma_semaphore, #tpu.memory_space<semaphore_mem>>, %arg24: memref<!tpu.dma_semaphore, #tpu.memory_space<semaphore_mem>>) attributes {dimension_semantics = [#tpu.dimension_semantics<core_parallel>, #tpu.dimension_semantics<subcore_parallel>], iteration_bounds = array<i64: 2, 16>, scalar_prefetch = 0 : i64, scratch_operands = 20 : i64, tpu.core_type = #tpu.core_type<sc_vector_subcore>, window_params = [{transform_indices = #map}, {transform_indices = #map1}, {transform_indices = #map}]} {
    %mul3A = arith.constant 2 : i32
    %mul3A_0 = arith.muli %arg1, %mul3A : i32
    %add3A = arith.addi %mul3A_0, %arg0 : i32
    %mul3A_1 = arith.constant 20 : i32
    %mul3A_2 = arith.muli %add3A, %mul3A_1 : i32
    %eq3A = arith.constant 0 : i32
    %eq3A_3 = arith.cmpi eq, %arg1, %eq3A : i32
    %convert_element_type3A = arith.extui %eq3A_3 : i1 to i32
    %cond3A = arith.constant 0 : i32
    %cond3A_4 = arith.cmpi ne, %convert_element_type3A, %cond3A : i32
    scf.if %cond3A_4 {
      "tpu.region"() ({
        %run_scoped3A = tpu.sem_alloc : memref<!tpu.dma_semaphore, #tpu.memory_space<semaphore_mem>>
        tpu.enqueue_dma source(%arg3 : memref<128x128xf32, #tpu.memory_space<hbm>>) target(%arg5 : memref<128x128xf32, #tpu.memory_space<vmem_shared>>) target_semaphore(%run_scoped3A : memref<!tpu.dma_semaphore, #tpu.memory_space<semaphore_mem>>)
        tpu.wait_dma2 semaphore(%run_scoped3A : memref<!tpu.dma_semaphore, #tpu.memory_space<semaphore_mem>>) src(%arg3 : memref<128x128xf32, #tpu.memory_space<hbm>>) dst(%arg5 : memref<128x128xf32, #tpu.memory_space<vmem_shared>>)
        tpu.yield
      }) : () -> ()
    } else {
    }
    "tpu.region"() ({
      %run_scoped3A = tpu.sem_alloc : memref<!tpu.dma_semaphore, #tpu.memory_space<semaphore_mem>>
      %dma_start3A_1123 = arith.constant 0 : i32
      %dma_start3A_1124 = arith.constant 0 : i32
      %dma_start3A_1125 = tpu.memref_slice %arg2[%add3A, %dma_start3A_1123, %dma_start3A_1124] : memref<32x20x128xi32, #tpu.memory_space<hbm>> -> memref<1x20x128xi32, #tpu.memory_space<hbm>>
      %dma_start3A_1126 = arith.constant 0 : i32
      %dma_start3A_1127 = arith.constant 0 : i32
      %dma_start3A_1128 = tpu.memref_slice %arg2[%add3A, %dma_start3A_1126, %dma_start3A_1127] : memref<32x20x128xi32, #tpu.memory_space<hbm>> -> memref<1x20x128xi32, #tpu.memory_space<hbm>>
      tpu.enqueue_dma source(%dma_start3A_1128 : memref<1x20x128xi32, #tpu.memory_space<hbm>>) target(%arg6 : memref<1x20x128xi32, #tpu.memory_space<vmem>>) target_semaphore(%run_scoped3A : memref<!tpu.dma_semaphore, #tpu.memory_space<semaphore_mem>>)
      %dma_wait3A_1129 = arith.constant 0 : i32
      %dma_wait3A_1130 = arith.constant 0 : i32
      %dma_wait3A_1131 = tpu.memref_slice %arg2[%add3A, %dma_wait3A_1129, %dma_wait3A_1130] : memref<32x20x128xi32, #tpu.memory_space<hbm>> -> memref<1x20x128xi32, #tpu.memory_space<hbm>>
      %dma_wait3A_1132 = arith.constant 0 : i32
      %dma_wait3A_1133 = arith.constant 0 : i32
      %dma_wait3A_1134 = tpu.memref_slice %arg2[%add3A, %dma_wait3A_1132, %dma_wait3A_1133] : memref<32x20x128xi32, #tpu.memory_space<hbm>> -> memref<1x20x128xi32, #tpu.memory_space<hbm>>
      tpu.wait_dma2 semaphore(%run_scoped3A : memref<!tpu.dma_semaphore, #tpu.memory_space<semaphore_mem>>) src(%dma_wait3A_1134 : memref<1x20x128xi32, #tpu.memory_space<hbm>>) dst(%arg6 : memref<1x20x128xi32, #tpu.memory_space<vmem>>)
      tpu.yield
    }) : () -> ()
    %barrier3A = arith.constant 0 : index
    tpu.barrier barrier_id(%barrier3A)
    %dma_start3A = arith.constant 0 : i32
    %dma_start3A_5 = arith.constant 0 : i32
    %dma_start3A_6 = arith.constant 0 : i32
    %dma_start3A_7 = arith.constant 0 : i32
    %dma_start3A_8 = arith.constant 0 : i32
    %dma_start3A_9 = tpu.memref_slice %arg7[%dma_start3A_6, %dma_start3A_7, %dma_start3A_8] : memref<1x128x128xf32, #tpu.memory_space<vmem>> -> memref<1x128x128xf32, #tpu.memory_space<vmem>>
    %dma_start3A_10 = tpu.memref_squeeze %dma_start3A_9 : memref<1x128x128xf32, #tpu.memory_space<vmem>> -> memref<128x128xf32, #tpu.memory_space<vmem>>
    %dma_start3A_11 = arith.constant 0 : i32
    %dma_start3A_12 = tpu.memref_slice %arg6[%dma_start3A, %dma_start3A_5, %dma_start3A_11] : memref<1x20x128xi32, #tpu.memory_space<vmem>> -> memref<1x1x128xi32, #tpu.memory_space<vmem>>
    %dma_start3A_13 = tpu.memref_squeeze %dma_start3A_12 : memref<1x1x128xi32, #tpu.memory_space<vmem>> -> memref<128xi32, #tpu.memory_space<vmem>>
    %dma_start3A_14 = arith.constant 0 : i32
    %dma_start3A_15 = arith.constant 0 : i32
    %dma_start3A_16 = tpu.memref_slice %arg5[%dma_start3A_14, %dma_start3A_15] : memref<128x128xf32, #tpu.memory_space<vmem_shared>> -> memref<128x128xf32, #tpu.memory_space<vmem_shared>>
    tpu.enqueue_indirect_dma source(%dma_start3A_16 : memref<128x128xf32, #tpu.memory_space<vmem_shared>>) target(%dma_start3A_10 : memref<128x128xf32, #tpu.memory_space<vmem>>) offsets(%dma_start3A_13 : memref<128xi32, #tpu.memory_space<vmem>>) semaphore(%arg13 : memref<!tpu.dma_semaphore, #tpu.memory_space<semaphore_mem>>)
    %dma_start3A_17 = arith.constant 0 : i32
    %dma_start3A_18 = arith.constant 1 : i32
    %dma_start3A_19 = arith.constant 0 : i32
    %dma_start3A_20 = arith.constant 0 : i32
    %dma_start3A_21 = arith.constant 0 : i32
    %dma_start3A_22 = tpu.memref_slice %arg8[%dma_start3A_19, %dma_start3A_20, %dma_start3A_21] : memref<1x128x128xf32, #tpu.memory_space<vmem>> -> memref<1x128x128xf32, #tpu.memory_space<vmem>>
    %dma_start3A_23 = tpu.memref_squeeze %dma_start3A_22 : memref<1x128x128xf32, #tpu.memory_space<vmem>> -> memref<128x128xf32, #tpu.memory_space<vmem>>
    %dma_start3A_24 = arith.constant 0 : i32
    %dma_start3A_25 = tpu.memref_slice %arg6[%dma_start3A_17, %dma_start3A_18, %dma_start3A_24] : memref<1x20x128xi32, #tpu.memory_space<vmem>> -> memref<1x1x128xi32, #tpu.memory_space<vmem>>
    %dma_start3A_26 = tpu.memref_squeeze %dma_start3A_25 : memref<1x1x128xi32, #tpu.memory_space<vmem>> -> memref<128xi32, #tpu.memory_space<vmem>>
    %dma_start3A_27 = arith.constant 0 : i32
    %dma_start3A_28 = arith.constant 0 : i32
    %dma_start3A_29 = tpu.memref_slice %arg5[%dma_start3A_27, %dma_start3A_28] : memref<128x128xf32, #tpu.memory_space<vmem_shared>> -> memref<128x128xf32, #tpu.memory_space<vmem_shared>>
    tpu.enqueue_indirect_dma source(%dma_start3A_29 : memref<128x128xf32, #tpu.memory_space<vmem_shared>>) target(%dma_start3A_23 : memref<128x128xf32, #tpu.memory_space<vmem>>) offsets(%dma_start3A_26 : memref<128xi32, #tpu.memory_space<vmem>>) semaphore(%arg14 : memref<!tpu.dma_semaphore, #tpu.memory_space<semaphore_mem>>)
    %dma_start3A_30 = arith.constant 0 : i32
    %dma_start3A_31 = arith.constant 2 : i32
    %dma_start3A_32 = arith.constant 0 : i32
    %dma_start3A_33 = arith.constant 0 : i32
    %dma_start3A_34 = arith.constant 0 : i32
    %dma_start3A_35 = tpu.memref_slice %arg9[%dma_start3A_32, %dma_start3A_33, %dma_start3A_34] : memref<1x128x128xf32, #tpu.memory_space<vmem>> -> memref<1x128x128xf32, #tpu.memory_space<vmem>>
    %dma_start3A_36 = tpu.memref_squeeze %dma_start3A_35 : memref<1x128x128xf32, #tpu.memory_space<vmem>> -> memref<128x128xf32, #tpu.memory_space<vmem>>
    %dma_start3A_37 = arith.constant 0 : i32
    %dma_start3A_38 = tpu.memref_slice %arg6[%dma_start3A_30, %dma_start3A_31, %dma_start3A_37] : memref<1x20x128xi32, #tpu.memory_space<vmem>> -> memref<1x1x128xi32, #tpu.memory_space<vmem>>
    %dma_start3A_39 = tpu.memref_squeeze %dma_start3A_38 : memref<1x1x128xi32, #tpu.memory_space<vmem>> -> memref<128xi32, #tpu.memory_space<vmem>>
    %dma_start3A_40 = arith.constant 0 : i32
    %dma_start3A_41 = arith.constant 0 : i32
    %dma_start3A_42 = tpu.memref_slice %arg5[%dma_start3A_40, %dma_start3A_41] : memref<128x128xf32, #tpu.memory_space<vmem_shared>> -> memref<128x128xf32, #tpu.memory_space<vmem_shared>>
    tpu.enqueue_indirect_dma source(%dma_start3A_42 : memref<128x128xf32, #tpu.memory_space<vmem_shared>>) target(%dma_start3A_36 : memref<128x128xf32, #tpu.memory_space<vmem>>) offsets(%dma_start3A_39 : memref<128xi32, #tpu.memory_space<vmem>>) semaphore(%arg15 : memref<!tpu.dma_semaphore, #tpu.memory_space<semaphore_mem>>)
    %dma_wait3A = arith.constant 0 : i32
    %dma_wait3A_43 = arith.constant 0 : i32
    %dma_wait3A_44 = arith.constant 0 : i32
    %dma_wait3A_45 = arith.constant 0 : i32
    %dma_wait3A_46 = arith.constant 0 : i32
    %dma_wait3A_47 = tpu.memref_slice %arg7[%dma_wait3A_44, %dma_wait3A_45, %dma_wait3A_46] : memref<1x128x128xf32, #tpu.memory_space<vmem>> -> memref<1x128x128xf32, #tpu.memory_space<vmem>>
    %dma_wait3A_48 = tpu.memref_squeeze %dma_wait3A_47 : memref<1x128x128xf32, #tpu.memory_space<vmem>> -> memref<128x128xf32, #tpu.memory_space<vmem>>
    %dma_wait3A_49 = arith.constant 0 : i32
    %dma_wait3A_50 = tpu.memref_slice %arg6[%dma_wait3A, %dma_wait3A_43, %dma_wait3A_49] : memref<1x20x128xi32, #tpu.memory_space<vmem>> -> memref<1x1x128xi32, #tpu.memory_space<vmem>>
    %dma_wait3A_51 = tpu.memref_squeeze %dma_wait3A_50 : memref<1x1x128xi32, #tpu.memory_space<vmem>> -> memref<128xi32, #tpu.memory_space<vmem>>
    %dma_wait3A_52 = arith.constant 0 : i32
    %dma_wait3A_53 = arith.constant 0 : i32
    %dma_wait3A_54 = tpu.memref_slice %arg5[%dma_wait3A_52, %dma_wait3A_53] : memref<128x128xf32, #tpu.memory_space<vmem_shared>> -> memref<128x128xf32, #tpu.memory_space<vmem_shared>>
    tpu.wait_indirect_dma semaphore(%arg13 : memref<!tpu.dma_semaphore, #tpu.memory_space<semaphore_mem>>) src(%dma_wait3A_54 : memref<128x128xf32, #tpu.memory_space<vmem_shared>>) dst(%dma_wait3A_48 : memref<128x128xf32, #tpu.memory_space<vmem>>)
    %add3A_55 = arith.constant 0 : i32
    %add3A_56 = arith.addi %mul3A_2, %add3A_55 : i32
    %dma_start3A_57 = arith.constant 0 : i32
    %dma_start3A_58 = arith.constant 0 : i32
    %dma_start3A_59 = arith.constant 0 : i32
    %dma_start3A_60 = tpu.memref_slice %arg7[%dma_start3A_57, %dma_start3A_58, %dma_start3A_59] : memref<1x128x128xf32, #tpu.memory_space<vmem>> -> memref<1x128x128xf32, #tpu.memory_space<vmem>>
    %dma_start3A_61 = arith.constant 0 : i32
    %dma_start3A_62 = arith.constant 0 : i32
    %dma_start3A_63 = tpu.memref_slice %arg4[%add3A_56, %dma_start3A_61, %dma_start3A_62] : memref<640x128x128xf32, #tpu.memory_space<hbm>> -> memref<1x128x128xf32, #tpu.memory_space<hbm>>
    %dma_start3A_64 = arith.constant 0 : i32
    %dma_start3A_65 = arith.constant 0 : i32
    %dma_start3A_66 = tpu.memref_slice %arg4[%add3A_56, %dma_start3A_64, %dma_start3A_65] : memref<640x128x128xf32, #tpu.memory_space<hbm>> -> memref<1x128x128xf32, #tpu.memory_space<hbm>>
    %dma_start3A_67 = arith.constant 0 : i32
    %dma_start3A_68 = arith.constant 0 : i32
    %dma_start3A_69 = arith.constant 0 : i32
    %dma_start3A_70 = tpu.memref_slice %arg7[%dma_start3A_67, %dma_start3A_68, %dma_start3A_69] : memref<1x128x128xf32, #tpu.memory_space<vmem>> -> memref<1x128x128xf32, #tpu.memory_space<vmem>>
    tpu.enqueue_dma source(%dma_start3A_70 : memref<1x128x128xf32, #tpu.memory_space<vmem>>) target(%dma_start3A_66 : memref<1x128x128xf32, #tpu.memory_space<hbm>>) target_semaphore(%arg19 : memref<!tpu.dma_semaphore, #tpu.memory_space<semaphore_mem>>)
    %dma_start3A_71 = arith.constant 0 : i32
    %dma_start3A_72 = arith.constant 3 : i32
    %dma_start3A_73 = arith.constant 0 : i32
    %dma_start3A_74 = arith.constant 0 : i32
    %dma_start3A_75 = arith.constant 0 : i32
    %dma_start3A_76 = tpu.memref_slice %arg10[%dma_start3A_73, %dma_start3A_74, %dma_start3A_75] : memref<1x128x128xf32, #tpu.memory_space<vmem>> -> memref<1x128x128xf32, #tpu.memory_space<vmem>>
    %dma_start3A_77 = tpu.memref_squeeze %dma_start3A_76 : memref<1x128x128xf32, #tpu.memory_space<vmem>> -> memref<128x128xf32, #tpu.memory_space<vmem>>
    %dma_start3A_78 = arith.constant 0 : i32
    %dma_start3A_79 = tpu.memref_slice %arg6[%dma_start3A_71, %dma_start3A_72, %dma_start3A_78] : memref<1x20x128xi32, #tpu.memory_space<vmem>> -> memref<1x1x128xi32, #tpu.memory_space<vmem>>
    %dma_start3A_80 = tpu.memref_squeeze %dma_start3A_79 : memref<1x1x128xi32, #tpu.memory_space<vmem>> -> memref<128xi32, #tpu.memory_space<vmem>>
    %dma_start3A_81 = arith.constant 0 : i32
    %dma_start3A_82 = arith.constant 0 : i32
    %dma_start3A_83 = tpu.memref_slice %arg5[%dma_start3A_81, %dma_start3A_82] : memref<128x128xf32, #tpu.memory_space<vmem_shared>> -> memref<128x128xf32, #tpu.memory_space<vmem_shared>>
    tpu.enqueue_indirect_dma source(%dma_start3A_83 : memref<128x128xf32, #tpu.memory_space<vmem_shared>>) target(%dma_start3A_77 : memref<128x128xf32, #tpu.memory_space<vmem>>) offsets(%dma_start3A_80 : memref<128xi32, #tpu.memory_space<vmem>>) semaphore(%arg16 : memref<!tpu.dma_semaphore, #tpu.memory_space<semaphore_mem>>)
    %dma_wait3A_84 = arith.constant 0 : i32
    %dma_wait3A_85 = arith.constant 1 : i32
    %dma_wait3A_86 = arith.constant 0 : i32
    %dma_wait3A_87 = arith.constant 0 : i32
    %dma_wait3A_88 = arith.constant 0 : i32
    %dma_wait3A_89 = tpu.memref_slice %arg8[%dma_wait3A_86, %dma_wait3A_87, %dma_wait3A_88] : memref<1x128x128xf32, #tpu.memory_space<vmem>> -> memref<1x128x128xf32, #tpu.memory_space<vmem>>
    %dma_wait3A_90 = tpu.memref_squeeze %dma_wait3A_89 : memref<1x128x128xf32, #tpu.memory_space<vmem>> -> memref<128x128xf32, #tpu.memory_space<vmem>>
    %dma_wait3A_91 = arith.constant 0 : i32
    %dma_wait3A_92 = tpu.memref_slice %arg6[%dma_wait3A_84, %dma_wait3A_85, %dma_wait3A_91] : memref<1x20x128xi32, #tpu.memory_space<vmem>> -> memref<1x1x128xi32, #tpu.memory_space<vmem>>
    %dma_wait3A_93 = tpu.memref_squeeze %dma_wait3A_92 : memref<1x1x128xi32, #tpu.memory_space<vmem>> -> memref<128xi32, #tpu.memory_space<vmem>>
    %dma_wait3A_94 = arith.constant 0 : i32
    %dma_wait3A_95 = arith.constant 0 : i32
    %dma_wait3A_96 = tpu.memref_slice %arg5[%dma_wait3A_94, %dma_wait3A_95] : memref<128x128xf32, #tpu.memory_space<vmem_shared>> -> memref<128x128xf32, #tpu.memory_space<vmem_shared>>
    tpu.wait_indirect_dma semaphore(%arg14 : memref<!tpu.dma_semaphore, #tpu.memory_space<semaphore_mem>>) src(%dma_wait3A_96 : memref<128x128xf32, #tpu.memory_space<vmem_shared>>) dst(%dma_wait3A_90 : memref<128x128xf32, #tpu.memory_space<vmem>>)
    %add3A_97 = arith.constant 1 : i32
    %add3A_98 = arith.addi %mul3A_2, %add3A_97 : i32
    %dma_start3A_99 = arith.constant 0 : i32
    %dma_start3A_100 = arith.constant 0 : i32
    %dma_start3A_101 = arith.constant 0 : i32
    %dma_start3A_102 = tpu.memref_slice %arg8[%dma_start3A_99, %dma_start3A_100, %dma_start3A_101] : memref<1x128x128xf32, #tpu.memory_space<vmem>> -> memref<1x128x128xf32, #tpu.memory_space<vmem>>
    %dma_start3A_103 = arith.constant 0 : i32
    %dma_start3A_104 = arith.constant 0 : i32
    %dma_start3A_105 = tpu.memref_slice %arg4[%add3A_98, %dma_start3A_103, %dma_start3A_104] : memref<640x128x128xf32, #tpu.memory_space<hbm>> -> memref<1x128x128xf32, #tpu.memory_space<hbm>>
    %dma_start3A_106 = arith.constant 0 : i32
    %dma_start3A_107 = arith.constant 0 : i32
    %dma_start3A_108 = tpu.memref_slice %arg4[%add3A_98, %dma_start3A_106, %dma_start3A_107] : memref<640x128x128xf32, #tpu.memory_space<hbm>> -> memref<1x128x128xf32, #tpu.memory_space<hbm>>
    %dma_start3A_109 = arith.constant 0 : i32
    %dma_start3A_110 = arith.constant 0 : i32
    %dma_start3A_111 = arith.constant 0 : i32
    %dma_start3A_112 = tpu.memref_slice %arg8[%dma_start3A_109, %dma_start3A_110, %dma_start3A_111] : memref<1x128x128xf32, #tpu.memory_space<vmem>> -> memref<1x128x128xf32, #tpu.memory_space<vmem>>
    tpu.enqueue_dma source(%dma_start3A_112 : memref<1x128x128xf32, #tpu.memory_space<vmem>>) target(%dma_start3A_108 : memref<1x128x128xf32, #tpu.memory_space<hbm>>) target_semaphore(%arg20 : memref<!tpu.dma_semaphore, #tpu.memory_space<semaphore_mem>>)
    %dma_start3A_113 = arith.constant 0 : i32
    %dma_start3A_114 = arith.constant 4 : i32
    %dma_start3A_115 = arith.constant 0 : i32
    %dma_start3A_116 = arith.constant 0 : i32
    %dma_start3A_117 = arith.constant 0 : i32
    %dma_start3A_118 = tpu.memref_slice %arg11[%dma_start3A_115, %dma_start3A_116, %dma_start3A_117] : memref<1x128x128xf32, #tpu.memory_space<vmem>> -> memref<1x128x128xf32, #tpu.memory_space<vmem>>
    %dma_start3A_119 = tpu.memref_squeeze %dma_start3A_118 : memref<1x128x128xf32, #tpu.memory_space<vmem>> -> memref<128x128xf32, #tpu.memory_space<vmem>>
    %dma_start3A_120 = arith.constant 0 : i32
    %dma_start3A_121 = tpu.memref_slice %arg6[%dma_start3A_113, %dma_start3A_114, %dma_start3A_120] : memref<1x20x128xi32, #tpu.memory_space<vmem>> -> memref<1x1x128xi32, #tpu.memory_space<vmem>>
    %dma_start3A_122 = tpu.memref_squeeze %dma_start3A_121 : memref<1x1x128xi32, #tpu.memory_space<vmem>> -> memref<128xi32, #tpu.memory_space<vmem>>
    %dma_start3A_123 = arith.constant 0 : i32
    %dma_start3A_124 = arith.constant 0 : i32
    %dma_start3A_125 = tpu.memref_slice %arg5[%dma_start3A_123, %dma_start3A_124] : memref<128x128xf32, #tpu.memory_space<vmem_shared>> -> memref<128x128xf32, #tpu.memory_space<vmem_shared>>
    tpu.enqueue_indirect_dma source(%dma_start3A_125 : memref<128x128xf32, #tpu.memory_space<vmem_shared>>) target(%dma_start3A_119 : memref<128x128xf32, #tpu.memory_space<vmem>>) offsets(%dma_start3A_122 : memref<128xi32, #tpu.memory_space<vmem>>) semaphore(%arg17 : memref<!tpu.dma_semaphore, #tpu.memory_space<semaphore_mem>>)
    %dma_wait3A_126 = arith.constant 0 : i32
    %dma_wait3A_127 = arith.constant 2 : i32
    %dma_wait3A_128 = arith.constant 0 : i32
    %dma_wait3A_129 = arith.constant 0 : i32
    %dma_wait3A_130 = arith.constant 0 : i32
    %dma_wait3A_131 = tpu.memref_slice %arg9[%dma_wait3A_128, %dma_wait3A_129, %dma_wait3A_130] : memref<1x128x128xf32, #tpu.memory_space<vmem>> -> memref<1x128x128xf32, #tpu.memory_space<vmem>>
    %dma_wait3A_132 = tpu.memref_squeeze %dma_wait3A_131 : memref<1x128x128xf32, #tpu.memory_space<vmem>> -> memref<128x128xf32, #tpu.memory_space<vmem>>
    %dma_wait3A_133 = arith.constant 0 : i32
    %dma_wait3A_134 = tpu.memref_slice %arg6[%dma_wait3A_126, %dma_wait3A_127, %dma_wait3A_133] : memref<1x20x128xi32, #tpu.memory_space<vmem>> -> memref<1x1x128xi32, #tpu.memory_space<vmem>>
    %dma_wait3A_135 = tpu.memref_squeeze %dma_wait3A_134 : memref<1x1x128xi32, #tpu.memory_space<vmem>> -> memref<128xi32, #tpu.memory_space<vmem>>
    %dma_wait3A_136 = arith.constant 0 : i32
    %dma_wait3A_137 = arith.constant 0 : i32
    %dma_wait3A_138 = tpu.memref_slice %arg5[%dma_wait3A_136, %dma_wait3A_137] : memref<128x128xf32, #tpu.memory_space<vmem_shared>> -> memref<128x128xf32, #tpu.memory_space<vmem_shared>>
    tpu.wait_indirect_dma semaphore(%arg15 : memref<!tpu.dma_semaphore, #tpu.memory_space<semaphore_mem>>) src(%dma_wait3A_138 : memref<128x128xf32, #tpu.memory_space<vmem_shared>>) dst(%dma_wait3A_132 : memref<128x128xf32, #tpu.memory_space<vmem>>)
    %add3A_139 = arith.constant 2 : i32
    %add3A_140 = arith.addi %mul3A_2, %add3A_139 : i32
    %dma_start3A_141 = arith.constant 0 : i32
    %dma_start3A_142 = arith.constant 0 : i32
    %dma_start3A_143 = arith.constant 0 : i32
    %dma_start3A_144 = tpu.memref_slice %arg9[%dma_start3A_141, %dma_start3A_142, %dma_start3A_143] : memref<1x128x128xf32, #tpu.memory_space<vmem>> -> memref<1x128x128xf32, #tpu.memory_space<vmem>>
    %dma_start3A_145 = arith.constant 0 : i32
    %dma_start3A_146 = arith.constant 0 : i32
    %dma_start3A_147 = tpu.memref_slice %arg4[%add3A_140, %dma_start3A_145, %dma_start3A_146] : memref<640x128x128xf32, #tpu.memory_space<hbm>> -> memref<1x128x128xf32, #tpu.memory_space<hbm>>
    %dma_start3A_148 = arith.constant 0 : i32
    %dma_start3A_149 = arith.constant 0 : i32
    %dma_start3A_150 = tpu.memref_slice %arg4[%add3A_140, %dma_start3A_148, %dma_start3A_149] : memref<640x128x128xf32, #tpu.memory_space<hbm>> -> memref<1x128x128xf32, #tpu.memory_space<hbm>>
    %dma_start3A_151 = arith.constant 0 : i32
    %dma_start3A_152 = arith.constant 0 : i32
    %dma_start3A_153 = arith.constant 0 : i32
    %dma_start3A_154 = tpu.memref_slice %arg9[%dma_start3A_151, %dma_start3A_152, %dma_start3A_153] : memref<1x128x128xf32, #tpu.memory_space<vmem>> -> memref<1x128x128xf32, #tpu.memory_space<vmem>>
    tpu.enqueue_dma source(%dma_start3A_154 : memref<1x128x128xf32, #tpu.memory_space<vmem>>) target(%dma_start3A_150 : memref<1x128x128xf32, #tpu.memory_space<hbm>>) target_semaphore(%arg21 : memref<!tpu.dma_semaphore, #tpu.memory_space<semaphore_mem>>)
    %dma_start3A_155 = arith.constant 0 : i32
    %dma_start3A_156 = arith.constant 5 : i32
    %dma_start3A_157 = arith.constant 0 : i32
    %dma_start3A_158 = arith.constant 0 : i32
    %dma_start3A_159 = arith.constant 0 : i32
    %dma_start3A_160 = tpu.memref_slice %arg12[%dma_start3A_157, %dma_start3A_158, %dma_start3A_159] : memref<1x128x128xf32, #tpu.memory_space<vmem>> -> memref<1x128x128xf32, #tpu.memory_space<vmem>>
    %dma_start3A_161 = tpu.memref_squeeze %dma_start3A_160 : memref<1x128x128xf32, #tpu.memory_space<vmem>> -> memref<128x128xf32, #tpu.memory_space<vmem>>
    %dma_start3A_162 = arith.constant 0 : i32
    %dma_start3A_163 = tpu.memref_slice %arg6[%dma_start3A_155, %dma_start3A_156, %dma_start3A_162] : memref<1x20x128xi32, #tpu.memory_space<vmem>> -> memref<1x1x128xi32, #tpu.memory_space<vmem>>
    %dma_start3A_164 = tpu.memref_squeeze %dma_start3A_163 : memref<1x1x128xi32, #tpu.memory_space<vmem>> -> memref<128xi32, #tpu.memory_space<vmem>>
    %dma_start3A_165 = arith.constant 0 : i32
    %dma_start3A_166 = arith.constant 0 : i32
    %dma_start3A_167 = tpu.memref_slice %arg5[%dma_start3A_165, %dma_start3A_166] : memref<128x128xf32, #tpu.memory_space<vmem_shared>> -> memref<128x128xf32, #tpu.memory_space<vmem_shared>>
    tpu.enqueue_indirect_dma source(%dma_start3A_167 : memref<128x128xf32, #tpu.memory_space<vmem_shared>>) target(%dma_start3A_161 : memref<128x128xf32, #tpu.memory_space<vmem>>) offsets(%dma_start3A_164 : memref<128xi32, #tpu.memory_space<vmem>>) semaphore(%arg18 : memref<!tpu.dma_semaphore, #tpu.memory_space<semaphore_mem>>)
    %dma_wait3A_168 = arith.constant 0 : i32
    %dma_wait3A_169 = arith.constant 3 : i32
    %dma_wait3A_170 = arith.constant 0 : i32
    %dma_wait3A_171 = arith.constant 0 : i32
    %dma_wait3A_172 = arith.constant 0 : i32
    %dma_wait3A_173 = tpu.memref_slice %arg10[%dma_wait3A_170, %dma_wait3A_171, %dma_wait3A_172] : memref<1x128x128xf32, #tpu.memory_space<vmem>> -> memref<1x128x128xf32, #tpu.memory_space<vmem>>
    %dma_wait3A_174 = tpu.memref_squeeze %dma_wait3A_173 : memref<1x128x128xf32, #tpu.memory_space<vmem>> -> memref<128x128xf32, #tpu.memory_space<vmem>>
    %dma_wait3A_175 = arith.constant 0 : i32
    %dma_wait3A_176 = tpu.memref_slice %arg6[%dma_wait3A_168, %dma_wait3A_169, %dma_wait3A_175] : memref<1x20x128xi32, #tpu.memory_space<vmem>> -> memref<1x1x128xi32, #tpu.memory_space<vmem>>
    %dma_wait3A_177 = tpu.memref_squeeze %dma_wait3A_176 : memref<1x1x128xi32, #tpu.memory_space<vmem>> -> memref<128xi32, #tpu.memory_space<vmem>>
    %dma_wait3A_178 = arith.constant 0 : i32
    %dma_wait3A_179 = arith.constant 0 : i32
    %dma_wait3A_180 = tpu.memref_slice %arg5[%dma_wait3A_178, %dma_wait3A_179] : memref<128x128xf32, #tpu.memory_space<vmem_shared>> -> memref<128x128xf32, #tpu.memory_space<vmem_shared>>
    tpu.wait_indirect_dma semaphore(%arg16 : memref<!tpu.dma_semaphore, #tpu.memory_space<semaphore_mem>>) src(%dma_wait3A_180 : memref<128x128xf32, #tpu.memory_space<vmem_shared>>) dst(%dma_wait3A_174 : memref<128x128xf32, #tpu.memory_space<vmem>>)
    %add3A_181 = arith.constant 3 : i32
    %add3A_182 = arith.addi %mul3A_2, %add3A_181 : i32
    %dma_start3A_183 = arith.constant 0 : i32
    %dma_start3A_184 = arith.constant 0 : i32
    %dma_start3A_185 = arith.constant 0 : i32
    %dma_start3A_186 = tpu.memref_slice %arg10[%dma_start3A_183, %dma_start3A_184, %dma_start3A_185] : memref<1x128x128xf32, #tpu.memory_space<vmem>> -> memref<1x128x128xf32, #tpu.memory_space<vmem>>
    %dma_start3A_187 = arith.constant 0 : i32
    %dma_start3A_188 = arith.constant 0 : i32
    %dma_start3A_189 = tpu.memref_slice %arg4[%add3A_182, %dma_start3A_187, %dma_start3A_188] : memref<640x128x128xf32, #tpu.memory_space<hbm>> -> memref<1x128x128xf32, #tpu.memory_space<hbm>>
    %dma_start3A_190 = arith.constant 0 : i32
    %dma_start3A_191 = arith.constant 0 : i32
    %dma_start3A_192 = tpu.memref_slice %arg4[%add3A_182, %dma_start3A_190, %dma_start3A_191] : memref<640x128x128xf32, #tpu.memory_space<hbm>> -> memref<1x128x128xf32, #tpu.memory_space<hbm>>
    %dma_start3A_193 = arith.constant 0 : i32
    %dma_start3A_194 = arith.constant 0 : i32
    %dma_start3A_195 = arith.constant 0 : i32
    %dma_start3A_196 = tpu.memref_slice %arg10[%dma_start3A_193, %dma_start3A_194, %dma_start3A_195] : memref<1x128x128xf32, #tpu.memory_space<vmem>> -> memref<1x128x128xf32, #tpu.memory_space<vmem>>
    tpu.enqueue_dma source(%dma_start3A_196 : memref<1x128x128xf32, #tpu.memory_space<vmem>>) target(%dma_start3A_192 : memref<1x128x128xf32, #tpu.memory_space<hbm>>) target_semaphore(%arg22 : memref<!tpu.dma_semaphore, #tpu.memory_space<semaphore_mem>>)
    %dma_wait3A_197 = arith.constant 0 : i32
    %dma_wait3A_198 = arith.constant 0 : i32
    %dma_wait3A_199 = arith.constant 0 : i32
    %dma_wait3A_200 = tpu.memref_slice %arg7[%dma_wait3A_197, %dma_wait3A_198, %dma_wait3A_199] : memref<1x128x128xf32, #tpu.memory_space<vmem>> -> memref<1x128x128xf32, #tpu.memory_space<vmem>>
    %dma_wait3A_201 = arith.constant 0 : i32
    %dma_wait3A_202 = arith.constant 0 : i32
    %dma_wait3A_203 = tpu.memref_slice %arg4[%add3A_56, %dma_wait3A_201, %dma_wait3A_202] : memref<640x128x128xf32, #tpu.memory_space<hbm>> -> memref<1x128x128xf32, #tpu.memory_space<hbm>>
    %dma_wait3A_204 = arith.constant 0 : i32
    %dma_wait3A_205 = arith.constant 0 : i32
    %dma_wait3A_206 = tpu.memref_slice %arg4[%add3A_56, %dma_wait3A_204, %dma_wait3A_205] : memref<640x128x128xf32, #tpu.memory_space<hbm>> -> memref<1x128x128xf32, #tpu.memory_space<hbm>>
    %dma_wait3A_207 = arith.constant 0 : i32
    %dma_wait3A_208 = arith.constant 0 : i32
    %dma_wait3A_209 = arith.constant 0 : i32
    %dma_wait3A_210 = tpu.memref_slice %arg7[%dma_wait3A_207, %dma_wait3A_208, %dma_wait3A_209] : memref<1x128x128xf32, #tpu.memory_space<vmem>> -> memref<1x128x128xf32, #tpu.memory_space<vmem>>
    tpu.wait_dma2 semaphore(%arg19 : memref<!tpu.dma_semaphore, #tpu.memory_space<semaphore_mem>>) src(%dma_wait3A_210 : memref<1x128x128xf32, #tpu.memory_space<vmem>>) dst(%dma_wait3A_206 : memref<1x128x128xf32, #tpu.memory_space<hbm>>)
    %dma_start3A_211 = arith.constant 0 : i32
    %dma_start3A_212 = arith.constant 6 : i32
    %dma_start3A_213 = arith.constant 0 : i32
    %dma_start3A_214 = arith.constant 0 : i32
    %dma_start3A_215 = arith.constant 0 : i32
    %dma_start3A_216 = tpu.memref_slice %arg7[%dma_start3A_213, %dma_start3A_214, %dma_start3A_215] : memref<1x128x128xf32, #tpu.memory_space<vmem>> -> memref<1x128x128xf32, #tpu.memory_space<vmem>>
    %dma_start3A_217 = tpu.memref_squeeze %dma_start3A_216 : memref<1x128x128xf32, #tpu.memory_space<vmem>> -> memref<128x128xf32, #tpu.memory_space<vmem>>
    %dma_start3A_218 = arith.constant 0 : i32
    %dma_start3A_219 = tpu.memref_slice %arg6[%dma_start3A_211, %dma_start3A_212, %dma_start3A_218] : memref<1x20x128xi32, #tpu.memory_space<vmem>> -> memref<1x1x128xi32, #tpu.memory_space<vmem>>
    %dma_start3A_220 = tpu.memref_squeeze %dma_start3A_219 : memref<1x1x128xi32, #tpu.memory_space<vmem>> -> memref<128xi32, #tpu.memory_space<vmem>>
    %dma_start3A_221 = arith.constant 0 : i32
    %dma_start3A_222 = arith.constant 0 : i32
    %dma_start3A_223 = tpu.memref_slice %arg5[%dma_start3A_221, %dma_start3A_222] : memref<128x128xf32, #tpu.memory_space<vmem_shared>> -> memref<128x128xf32, #tpu.memory_space<vmem_shared>>
    tpu.enqueue_indirect_dma source(%dma_start3A_223 : memref<128x128xf32, #tpu.memory_space<vmem_shared>>) target(%dma_start3A_217 : memref<128x128xf32, #tpu.memory_space<vmem>>) offsets(%dma_start3A_220 : memref<128xi32, #tpu.memory_space<vmem>>) semaphore(%arg13 : memref<!tpu.dma_semaphore, #tpu.memory_space<semaphore_mem>>)
    %dma_wait3A_224 = arith.constant 0 : i32
    %dma_wait3A_225 = arith.constant 4 : i32
    %dma_wait3A_226 = arith.constant 0 : i32
    %dma_wait3A_227 = arith.constant 0 : i32
    %dma_wait3A_228 = arith.constant 0 : i32
    %dma_wait3A_229 = tpu.memref_slice %arg11[%dma_wait3A_226, %dma_wait3A_227, %dma_wait3A_228] : memref<1x128x128xf32, #tpu.memory_space<vmem>> -> memref<1x128x128xf32, #tpu.memory_space<vmem>>
    %dma_wait3A_230 = tpu.memref_squeeze %dma_wait3A_229 : memref<1x128x128xf32, #tpu.memory_space<vmem>> -> memref<128x128xf32, #tpu.memory_space<vmem>>
    %dma_wait3A_231 = arith.constant 0 : i32
    %dma_wait3A_232 = tpu.memref_slice %arg6[%dma_wait3A_224, %dma_wait3A_225, %dma_wait3A_231] : memref<1x20x128xi32, #tpu.memory_space<vmem>> -> memref<1x1x128xi32, #tpu.memory_space<vmem>>
    %dma_wait3A_233 = tpu.memref_squeeze %dma_wait3A_232 : memref<1x1x128xi32, #tpu.memory_space<vmem>> -> memref<128xi32, #tpu.memory_space<vmem>>
    %dma_wait3A_234 = arith.constant 0 : i32
    %dma_wait3A_235 = arith.constant 0 : i32
    %dma_wait3A_236 = tpu.memref_slice %arg5[%dma_wait3A_234, %dma_wait3A_235] : memref<128x128xf32, #tpu.memory_space<vmem_shared>> -> memref<128x128xf32, #tpu.memory_space<vmem_shared>>
    tpu.wait_indirect_dma semaphore(%arg17 : memref<!tpu.dma_semaphore, #tpu.memory_space<semaphore_mem>>) src(%dma_wait3A_236 : memref<128x128xf32, #tpu.memory_space<vmem_shared>>) dst(%dma_wait3A_230 : memref<128x128xf32, #tpu.memory_space<vmem>>)
    %add3A_237 = arith.constant 4 : i32
    %add3A_238 = arith.addi %mul3A_2, %add3A_237 : i32
    %dma_start3A_239 = arith.constant 0 : i32
    %dma_start3A_240 = arith.constant 0 : i32
    %dma_start3A_241 = arith.constant 0 : i32
    %dma_start3A_242 = tpu.memref_slice %arg11[%dma_start3A_239, %dma_start3A_240, %dma_start3A_241] : memref<1x128x128xf32, #tpu.memory_space<vmem>> -> memref<1x128x128xf32, #tpu.memory_space<vmem>>
    %dma_start3A_243 = arith.constant 0 : i32
    %dma_start3A_244 = arith.constant 0 : i32
    %dma_start3A_245 = tpu.memref_slice %arg4[%add3A_238, %dma_start3A_243, %dma_start3A_244] : memref<640x128x128xf32, #tpu.memory_space<hbm>> -> memref<1x128x128xf32, #tpu.memory_space<hbm>>
    %dma_start3A_246 = arith.constant 0 : i32
    %dma_start3A_247 = arith.constant 0 : i32
    %dma_start3A_248 = tpu.memref_slice %arg4[%add3A_238, %dma_start3A_246, %dma_start3A_247] : memref<640x128x128xf32, #tpu.memory_space<hbm>> -> memref<1x128x128xf32, #tpu.memory_space<hbm>>
    %dma_start3A_249 = arith.constant 0 : i32
    %dma_start3A_250 = arith.constant 0 : i32
    %dma_start3A_251 = arith.constant 0 : i32
    %dma_start3A_252 = tpu.memref_slice %arg11[%dma_start3A_249, %dma_start3A_250, %dma_start3A_251] : memref<1x128x128xf32, #tpu.memory_space<vmem>> -> memref<1x128x128xf32, #tpu.memory_space<vmem>>
    tpu.enqueue_dma source(%dma_start3A_252 : memref<1x128x128xf32, #tpu.memory_space<vmem>>) target(%dma_start3A_248 : memref<1x128x128xf32, #tpu.memory_space<hbm>>) target_semaphore(%arg23 : memref<!tpu.dma_semaphore, #tpu.memory_space<semaphore_mem>>)
    %dma_wait3A_253 = arith.constant 0 : i32
    %dma_wait3A_254 = arith.constant 0 : i32
    %dma_wait3A_255 = arith.constant 0 : i32
    %dma_wait3A_256 = tpu.memref_slice %arg8[%dma_wait3A_253, %dma_wait3A_254, %dma_wait3A_255] : memref<1x128x128xf32, #tpu.memory_space<vmem>> -> memref<1x128x128xf32, #tpu.memory_space<vmem>>
    %dma_wait3A_257 = arith.constant 0 : i32
    %dma_wait3A_258 = arith.constant 0 : i32
    %dma_wait3A_259 = tpu.memref_slice %arg4[%add3A_98, %dma_wait3A_257, %dma_wait3A_258] : memref<640x128x128xf32, #tpu.memory_space<hbm>> -> memref<1x128x128xf32, #tpu.memory_space<hbm>>
    %dma_wait3A_260 = arith.constant 0 : i32
    %dma_wait3A_261 = arith.constant 0 : i32
    %dma_wait3A_262 = tpu.memref_slice %arg4[%add3A_98, %dma_wait3A_260, %dma_wait3A_261] : memref<640x128x128xf32, #tpu.memory_space<hbm>> -> memref<1x128x128xf32, #tpu.memory_space<hbm>>
    %dma_wait3A_263 = arith.constant 0 : i32
    %dma_wait3A_264 = arith.constant 0 : i32
    %dma_wait3A_265 = arith.constant 0 : i32
    %dma_wait3A_266 = tpu.memref_slice %arg8[%dma_wait3A_263, %dma_wait3A_264, %dma_wait3A_265] : memref<1x128x128xf32, #tpu.memory_space<vmem>> -> memref<1x128x128xf32, #tpu.memory_space<vmem>>
    tpu.wait_dma2 semaphore(%arg20 : memref<!tpu.dma_semaphore, #tpu.memory_space<semaphore_mem>>) src(%dma_wait3A_266 : memref<1x128x128xf32, #tpu.memory_space<vmem>>) dst(%dma_wait3A_262 : memref<1x128x128xf32, #tpu.memory_space<hbm>>)
    %dma_start3A_267 = arith.constant 0 : i32
    %dma_start3A_268 = arith.constant 7 : i32
    %dma_start3A_269 = arith.constant 0 : i32
    %dma_start3A_270 = arith.constant 0 : i32
    %dma_start3A_271 = arith.constant 0 : i32
    %dma_start3A_272 = tpu.memref_slice %arg8[%dma_start3A_269, %dma_start3A_270, %dma_start3A_271] : memref<1x128x128xf32, #tpu.memory_space<vmem>> -> memref<1x128x128xf32, #tpu.memory_space<vmem>>
    %dma_start3A_273 = tpu.memref_squeeze %dma_start3A_272 : memref<1x128x128xf32, #tpu.memory_space<vmem>> -> memref<128x128xf32, #tpu.memory_space<vmem>>
    %dma_start3A_274 = arith.constant 0 : i32
    %dma_start3A_275 = tpu.memref_slice %arg6[%dma_start3A_267, %dma_start3A_268, %dma_start3A_274] : memref<1x20x128xi32, #tpu.memory_space<vmem>> -> memref<1x1x128xi32, #tpu.memory_space<vmem>>
    %dma_start3A_276 = tpu.memref_squeeze %dma_start3A_275 : memref<1x1x128xi32, #tpu.memory_space<vmem>> -> memref<128xi32, #tpu.memory_space<vmem>>
    %dma_start3A_277 = arith.constant 0 : i32
    %dma_start3A_278 = arith.constant 0 : i32
    %dma_start3A_279 = tpu.memref_slice %arg5[%dma_start3A_277, %dma_start3A_278] : memref<128x128xf32, #tpu.memory_space<vmem_shared>> -> memref<128x128xf32, #tpu.memory_space<vmem_shared>>
    tpu.enqueue_indirect_dma source(%dma_start3A_279 : memref<128x128xf32, #tpu.memory_space<vmem_shared>>) target(%dma_start3A_273 : memref<128x128xf32, #tpu.memory_space<vmem>>) offsets(%dma_start3A_276 : memref<128xi32, #tpu.memory_space<vmem>>) semaphore(%arg14 : memref<!tpu.dma_semaphore, #tpu.memory_space<semaphore_mem>>)
    %dma_wait3A_280 = arith.constant 0 : i32
    %dma_wait3A_281 = arith.constant 5 : i32
    %dma_wait3A_282 = arith.constant 0 : i32
    %dma_wait3A_283 = arith.constant 0 : i32
    %dma_wait3A_284 = arith.constant 0 : i32
    %dma_wait3A_285 = tpu.memref_slice %arg12[%dma_wait3A_282, %dma_wait3A_283, %dma_wait3A_284] : memref<1x128x128xf32, #tpu.memory_space<vmem>> -> memref<1x128x128xf32, #tpu.memory_space<vmem>>
    %dma_wait3A_286 = tpu.memref_squeeze %dma_wait3A_285 : memref<1x128x128xf32, #tpu.memory_space<vmem>> -> memref<128x128xf32, #tpu.memory_space<vmem>>
    %dma_wait3A_287 = arith.constant 0 : i32
    %dma_wait3A_288 = tpu.memref_slice %arg6[%dma_wait3A_280, %dma_wait3A_281, %dma_wait3A_287] : memref<1x20x128xi32, #tpu.memory_space<vmem>> -> memref<1x1x128xi32, #tpu.memory_space<vmem>>
    %dma_wait3A_289 = tpu.memref_squeeze %dma_wait3A_288 : memref<1x1x128xi32, #tpu.memory_space<vmem>> -> memref<128xi32, #tpu.memory_space<vmem>>
    %dma_wait3A_290 = arith.constant 0 : i32
    %dma_wait3A_291 = arith.constant 0 : i32
    %dma_wait3A_292 = tpu.memref_slice %arg5[%dma_wait3A_290, %dma_wait3A_291] : memref<128x128xf32, #tpu.memory_space<vmem_shared>> -> memref<128x128xf32, #tpu.memory_space<vmem_shared>>
    tpu.wait_indirect_dma semaphore(%arg18 : memref<!tpu.dma_semaphore, #tpu.memory_space<semaphore_mem>>) src(%dma_wait3A_292 : memref<128x128xf32, #tpu.memory_space<vmem_shared>>) dst(%dma_wait3A_286 : memref<128x128xf32, #tpu.memory_space<vmem>>)
    %add3A_293 = arith.constant 5 : i32
    %add3A_294 = arith.addi %mul3A_2, %add3A_293 : i32
    %dma_start3A_295 = arith.constant 0 : i32
    %dma_start3A_296 = arith.constant 0 : i32
    %dma_start3A_297 = arith.constant 0 : i32
    %dma_start3A_298 = tpu.memref_slice %arg12[%dma_start3A_295, %dma_start3A_296, %dma_start3A_297] : memref<1x128x128xf32, #tpu.memory_space<vmem>> -> memref<1x128x128xf32, #tpu.memory_space<vmem>>
    %dma_start3A_299 = arith.constant 0 : i32
    %dma_start3A_300 = arith.constant 0 : i32
    %dma_start3A_301 = tpu.memref_slice %arg4[%add3A_294, %dma_start3A_299, %dma_start3A_300] : memref<640x128x128xf32, #tpu.memory_space<hbm>> -> memref<1x128x128xf32, #tpu.memory_space<hbm>>
    %dma_start3A_302 = arith.constant 0 : i32
    %dma_start3A_303 = arith.constant 0 : i32
    %dma_start3A_304 = tpu.memref_slice %arg4[%add3A_294, %dma_start3A_302, %dma_start3A_303] : memref<640x128x128xf32, #tpu.memory_space<hbm>> -> memref<1x128x128xf32, #tpu.memory_space<hbm>>
    %dma_start3A_305 = arith.constant 0 : i32
    %dma_start3A_306 = arith.constant 0 : i32
    %dma_start3A_307 = arith.constant 0 : i32
    %dma_start3A_308 = tpu.memref_slice %arg12[%dma_start3A_305, %dma_start3A_306, %dma_start3A_307] : memref<1x128x128xf32, #tpu.memory_space<vmem>> -> memref<1x128x128xf32, #tpu.memory_space<vmem>>
    tpu.enqueue_dma source(%dma_start3A_308 : memref<1x128x128xf32, #tpu.memory_space<vmem>>) target(%dma_start3A_304 : memref<1x128x128xf32, #tpu.memory_space<hbm>>) target_semaphore(%arg24 : memref<!tpu.dma_semaphore, #tpu.memory_space<semaphore_mem>>)
    %dma_wait3A_309 = arith.constant 0 : i32
    %dma_wait3A_310 = arith.constant 0 : i32
    %dma_wait3A_311 = arith.constant 0 : i32
    %dma_wait3A_312 = tpu.memref_slice %arg9[%dma_wait3A_309, %dma_wait3A_310, %dma_wait3A_311] : memref<1x128x128xf32, #tpu.memory_space<vmem>> -> memref<1x128x128xf32, #tpu.memory_space<vmem>>
    %dma_wait3A_313 = arith.constant 0 : i32
    %dma_wait3A_314 = arith.constant 0 : i32
    %dma_wait3A_315 = tpu.memref_slice %arg4[%add3A_140, %dma_wait3A_313, %dma_wait3A_314] : memref<640x128x128xf32, #tpu.memory_space<hbm>> -> memref<1x128x128xf32, #tpu.memory_space<hbm>>
    %dma_wait3A_316 = arith.constant 0 : i32
    %dma_wait3A_317 = arith.constant 0 : i32
    %dma_wait3A_318 = tpu.memref_slice %arg4[%add3A_140, %dma_wait3A_316, %dma_wait3A_317] : memref<640x128x128xf32, #tpu.memory_space<hbm>> -> memref<1x128x128xf32, #tpu.memory_space<hbm>>
    %dma_wait3A_319 = arith.constant 0 : i32
    %dma_wait3A_320 = arith.constant 0 : i32
    %dma_wait3A_321 = arith.constant 0 : i32
    %dma_wait3A_322 = tpu.memref_slice %arg9[%dma_wait3A_319, %dma_wait3A_320, %dma_wait3A_321] : memref<1x128x128xf32, #tpu.memory_space<vmem>> -> memref<1x128x128xf32, #tpu.memory_space<vmem>>
    tpu.wait_dma2 semaphore(%arg21 : memref<!tpu.dma_semaphore, #tpu.memory_space<semaphore_mem>>) src(%dma_wait3A_322 : memref<1x128x128xf32, #tpu.memory_space<vmem>>) dst(%dma_wait3A_318 : memref<1x128x128xf32, #tpu.memory_space<hbm>>)
    %dma_start3A_323 = arith.constant 0 : i32
    %dma_start3A_324 = arith.constant 8 : i32
    %dma_start3A_325 = arith.constant 0 : i32
    %dma_start3A_326 = arith.constant 0 : i32
    %dma_start3A_327 = arith.constant 0 : i32
    %dma_start3A_328 = tpu.memref_slice %arg9[%dma_start3A_325, %dma_start3A_326, %dma_start3A_327] : memref<1x128x128xf32, #tpu.memory_space<vmem>> -> memref<1x128x128xf32, #tpu.memory_space<vmem>>
    %dma_start3A_329 = tpu.memref_squeeze %dma_start3A_328 : memref<1x128x128xf32, #tpu.memory_space<vmem>> -> memref<128x128xf32, #tpu.memory_space<vmem>>
    %dma_start3A_330 = arith.constant 0 : i32
    %dma_start3A_331 = tpu.memref_slice %arg6[%dma_start3A_323, %dma_start3A_324, %dma_start3A_330] : memref<1x20x128xi32, #tpu.memory_space<vmem>> -> memref<1x1x128xi32, #tpu.memory_space<vmem>>
    %dma_start3A_332 = tpu.memref_squeeze %dma_start3A_331 : memref<1x1x128xi32, #tpu.memory_space<vmem>> -> memref<128xi32, #tpu.memory_space<vmem>>
    %dma_start3A_333 = arith.constant 0 : i32
    %dma_start3A_334 = arith.constant 0 : i32
    %dma_start3A_335 = tpu.memref_slice %arg5[%dma_start3A_333, %dma_start3A_334] : memref<128x128xf32, #tpu.memory_space<vmem_shared>> -> memref<128x128xf32, #tpu.memory_space<vmem_shared>>
    tpu.enqueue_indirect_dma source(%dma_start3A_335 : memref<128x128xf32, #tpu.memory_space<vmem_shared>>) target(%dma_start3A_329 : memref<128x128xf32, #tpu.memory_space<vmem>>) offsets(%dma_start3A_332 : memref<128xi32, #tpu.memory_space<vmem>>) semaphore(%arg15 : memref<!tpu.dma_semaphore, #tpu.memory_space<semaphore_mem>>)
    %dma_wait3A_336 = arith.constant 0 : i32
    %dma_wait3A_337 = arith.constant 6 : i32
    %dma_wait3A_338 = arith.constant 0 : i32
    %dma_wait3A_339 = arith.constant 0 : i32
    %dma_wait3A_340 = arith.constant 0 : i32
    %dma_wait3A_341 = tpu.memref_slice %arg7[%dma_wait3A_338, %dma_wait3A_339, %dma_wait3A_340] : memref<1x128x128xf32, #tpu.memory_space<vmem>> -> memref<1x128x128xf32, #tpu.memory_space<vmem>>
    %dma_wait3A_342 = tpu.memref_squeeze %dma_wait3A_341 : memref<1x128x128xf32, #tpu.memory_space<vmem>> -> memref<128x128xf32, #tpu.memory_space<vmem>>
    %dma_wait3A_343 = arith.constant 0 : i32
    %dma_wait3A_344 = tpu.memref_slice %arg6[%dma_wait3A_336, %dma_wait3A_337, %dma_wait3A_343] : memref<1x20x128xi32, #tpu.memory_space<vmem>> -> memref<1x1x128xi32, #tpu.memory_space<vmem>>
    %dma_wait3A_345 = tpu.memref_squeeze %dma_wait3A_344 : memref<1x1x128xi32, #tpu.memory_space<vmem>> -> memref<128xi32, #tpu.memory_space<vmem>>
    %dma_wait3A_346 = arith.constant 0 : i32
    %dma_wait3A_347 = arith.constant 0 : i32
    %dma_wait3A_348 = tpu.memref_slice %arg5[%dma_wait3A_346, %dma_wait3A_347] : memref<128x128xf32, #tpu.memory_space<vmem_shared>> -> memref<128x128xf32, #tpu.memory_space<vmem_shared>>
    tpu.wait_indirect_dma semaphore(%arg13 : memref<!tpu.dma_semaphore, #tpu.memory_space<semaphore_mem>>) src(%dma_wait3A_348 : memref<128x128xf32, #tpu.memory_space<vmem_shared>>) dst(%dma_wait3A_342 : memref<128x128xf32, #tpu.memory_space<vmem>>)
    %add3A_349 = arith.constant 6 : i32
    %add3A_350 = arith.addi %mul3A_2, %add3A_349 : i32
    %dma_start3A_351 = arith.constant 0 : i32
    %dma_start3A_352 = arith.constant 0 : i32
    %dma_start3A_353 = arith.constant 0 : i32
    %dma_start3A_354 = tpu.memref_slice %arg7[%dma_start3A_351, %dma_start3A_352, %dma_start3A_353] : memref<1x128x128xf32, #tpu.memory_space<vmem>> -> memref<1x128x128xf32, #tpu.memory_space<vmem>>
    %dma_start3A_355 = arith.constant 0 : i32
    %dma_start3A_356 = arith.constant 0 : i32
    %dma_start3A_357 = tpu.memref_slice %arg4[%add3A_350, %dma_start3A_355, %dma_start3A_356] : memref<640x128x128xf32, #tpu.memory_space<hbm>> -> memref<1x128x128xf32, #tpu.memory_space<hbm>>
    %dma_start3A_358 = arith.constant 0 : i32
    %dma_start3A_359 = arith.constant 0 : i32
    %dma_start3A_360 = tpu.memref_slice %arg4[%add3A_350, %dma_start3A_358, %dma_start3A_359] : memref<640x128x128xf32, #tpu.memory_space<hbm>> -> memref<1x128x128xf32, #tpu.memory_space<hbm>>
    %dma_start3A_361 = arith.constant 0 : i32
    %dma_start3A_362 = arith.constant 0 : i32
    %dma_start3A_363 = arith.constant 0 : i32
    %dma_start3A_364 = tpu.memref_slice %arg7[%dma_start3A_361, %dma_start3A_362, %dma_start3A_363] : memref<1x128x128xf32, #tpu.memory_space<vmem>> -> memref<1x128x128xf32, #tpu.memory_space<vmem>>
    tpu.enqueue_dma source(%dma_start3A_364 : memref<1x128x128xf32, #tpu.memory_space<vmem>>) target(%dma_start3A_360 : memref<1x128x128xf32, #tpu.memory_space<hbm>>) target_semaphore(%arg19 : memref<!tpu.dma_semaphore, #tpu.memory_space<semaphore_mem>>)
    %dma_wait3A_365 = arith.constant 0 : i32
    %dma_wait3A_366 = arith.constant 0 : i32
    %dma_wait3A_367 = arith.constant 0 : i32
    %dma_wait3A_368 = tpu.memref_slice %arg10[%dma_wait3A_365, %dma_wait3A_366, %dma_wait3A_367] : memref<1x128x128xf32, #tpu.memory_space<vmem>> -> memref<1x128x128xf32, #tpu.memory_space<vmem>>
    %dma_wait3A_369 = arith.constant 0 : i32
    %dma_wait3A_370 = arith.constant 0 : i32
    %dma_wait3A_371 = tpu.memref_slice %arg4[%add3A_182, %dma_wait3A_369, %dma_wait3A_370] : memref<640x128x128xf32, #tpu.memory_space<hbm>> -> memref<1x128x128xf32, #tpu.memory_space<hbm>>
    %dma_wait3A_372 = arith.constant 0 : i32
    %dma_wait3A_373 = arith.constant 0 : i32
    %dma_wait3A_374 = tpu.memref_slice %arg4[%add3A_182, %dma_wait3A_372, %dma_wait3A_373] : memref<640x128x128xf32, #tpu.memory_space<hbm>> -> memref<1x128x128xf32, #tpu.memory_space<hbm>>
    %dma_wait3A_375 = arith.constant 0 : i32
    %dma_wait3A_376 = arith.constant 0 : i32
    %dma_wait3A_377 = arith.constant 0 : i32
    %dma_wait3A_378 = tpu.memref_slice %arg10[%dma_wait3A_375, %dma_wait3A_376, %dma_wait3A_377] : memref<1x128x128xf32, #tpu.memory_space<vmem>> -> memref<1x128x128xf32, #tpu.memory_space<vmem>>
    tpu.wait_dma2 semaphore(%arg22 : memref<!tpu.dma_semaphore, #tpu.memory_space<semaphore_mem>>) src(%dma_wait3A_378 : memref<1x128x128xf32, #tpu.memory_space<vmem>>) dst(%dma_wait3A_374 : memref<1x128x128xf32, #tpu.memory_space<hbm>>)
    %dma_start3A_379 = arith.constant 0 : i32
    %dma_start3A_380 = arith.constant 9 : i32
    %dma_start3A_381 = arith.constant 0 : i32
    %dma_start3A_382 = arith.constant 0 : i32
    %dma_start3A_383 = arith.constant 0 : i32
    %dma_start3A_384 = tpu.memref_slice %arg10[%dma_start3A_381, %dma_start3A_382, %dma_start3A_383] : memref<1x128x128xf32, #tpu.memory_space<vmem>> -> memref<1x128x128xf32, #tpu.memory_space<vmem>>
    %dma_start3A_385 = tpu.memref_squeeze %dma_start3A_384 : memref<1x128x128xf32, #tpu.memory_space<vmem>> -> memref<128x128xf32, #tpu.memory_space<vmem>>
    %dma_start3A_386 = arith.constant 0 : i32
    %dma_start3A_387 = tpu.memref_slice %arg6[%dma_start3A_379, %dma_start3A_380, %dma_start3A_386] : memref<1x20x128xi32, #tpu.memory_space<vmem>> -> memref<1x1x128xi32, #tpu.memory_space<vmem>>
    %dma_start3A_388 = tpu.memref_squeeze %dma_start3A_387 : memref<1x1x128xi32, #tpu.memory_space<vmem>> -> memref<128xi32, #tpu.memory_space<vmem>>
    %dma_start3A_389 = arith.constant 0 : i32
    %dma_start3A_390 = arith.constant 0 : i32
    %dma_start3A_391 = tpu.memref_slice %arg5[%dma_start3A_389, %dma_start3A_390] : memref<128x128xf32, #tpu.memory_space<vmem_shared>> -> memref<128x128xf32, #tpu.memory_space<vmem_shared>>
    tpu.enqueue_indirect_dma source(%dma_start3A_391 : memref<128x128xf32, #tpu.memory_space<vmem_shared>>) target(%dma_start3A_385 : memref<128x128xf32, #tpu.memory_space<vmem>>) offsets(%dma_start3A_388 : memref<128xi32, #tpu.memory_space<vmem>>) semaphore(%arg16 : memref<!tpu.dma_semaphore, #tpu.memory_space<semaphore_mem>>)
    %dma_wait3A_392 = arith.constant 0 : i32
    %dma_wait3A_393 = arith.constant 7 : i32
    %dma_wait3A_394 = arith.constant 0 : i32
    %dma_wait3A_395 = arith.constant 0 : i32
    %dma_wait3A_396 = arith.constant 0 : i32
    %dma_wait3A_397 = tpu.memref_slice %arg8[%dma_wait3A_394, %dma_wait3A_395, %dma_wait3A_396] : memref<1x128x128xf32, #tpu.memory_space<vmem>> -> memref<1x128x128xf32, #tpu.memory_space<vmem>>
    %dma_wait3A_398 = tpu.memref_squeeze %dma_wait3A_397 : memref<1x128x128xf32, #tpu.memory_space<vmem>> -> memref<128x128xf32, #tpu.memory_space<vmem>>
    %dma_wait3A_399 = arith.constant 0 : i32
    %dma_wait3A_400 = tpu.memref_slice %arg6[%dma_wait3A_392, %dma_wait3A_393, %dma_wait3A_399] : memref<1x20x128xi32, #tpu.memory_space<vmem>> -> memref<1x1x128xi32, #tpu.memory_space<vmem>>
    %dma_wait3A_401 = tpu.memref_squeeze %dma_wait3A_400 : memref<1x1x128xi32, #tpu.memory_space<vmem>> -> memref<128xi32, #tpu.memory_space<vmem>>
    %dma_wait3A_402 = arith.constant 0 : i32
    %dma_wait3A_403 = arith.constant 0 : i32
    %dma_wait3A_404 = tpu.memref_slice %arg5[%dma_wait3A_402, %dma_wait3A_403] : memref<128x128xf32, #tpu.memory_space<vmem_shared>> -> memref<128x128xf32, #tpu.memory_space<vmem_shared>>
    tpu.wait_indirect_dma semaphore(%arg14 : memref<!tpu.dma_semaphore, #tpu.memory_space<semaphore_mem>>) src(%dma_wait3A_404 : memref<128x128xf32, #tpu.memory_space<vmem_shared>>) dst(%dma_wait3A_398 : memref<128x128xf32, #tpu.memory_space<vmem>>)
    %add3A_405 = arith.constant 7 : i32
    %add3A_406 = arith.addi %mul3A_2, %add3A_405 : i32
    %dma_start3A_407 = arith.constant 0 : i32
    %dma_start3A_408 = arith.constant 0 : i32
    %dma_start3A_409 = arith.constant 0 : i32
    %dma_start3A_410 = tpu.memref_slice %arg8[%dma_start3A_407, %dma_start3A_408, %dma_start3A_409] : memref<1x128x128xf32, #tpu.memory_space<vmem>> -> memref<1x128x128xf32, #tpu.memory_space<vmem>>
    %dma_start3A_411 = arith.constant 0 : i32
    %dma_start3A_412 = arith.constant 0 : i32
    %dma_start3A_413 = tpu.memref_slice %arg4[%add3A_406, %dma_start3A_411, %dma_start3A_412] : memref<640x128x128xf32, #tpu.memory_space<hbm>> -> memref<1x128x128xf32, #tpu.memory_space<hbm>>
    %dma_start3A_414 = arith.constant 0 : i32
    %dma_start3A_415 = arith.constant 0 : i32
    %dma_start3A_416 = tpu.memref_slice %arg4[%add3A_406, %dma_start3A_414, %dma_start3A_415] : memref<640x128x128xf32, #tpu.memory_space<hbm>> -> memref<1x128x128xf32, #tpu.memory_space<hbm>>
    %dma_start3A_417 = arith.constant 0 : i32
    %dma_start3A_418 = arith.constant 0 : i32
    %dma_start3A_419 = arith.constant 0 : i32
    %dma_start3A_420 = tpu.memref_slice %arg8[%dma_start3A_417, %dma_start3A_418, %dma_start3A_419] : memref<1x128x128xf32, #tpu.memory_space<vmem>> -> memref<1x128x128xf32, #tpu.memory_space<vmem>>
    tpu.enqueue_dma source(%dma_start3A_420 : memref<1x128x128xf32, #tpu.memory_space<vmem>>) target(%dma_start3A_416 : memref<1x128x128xf32, #tpu.memory_space<hbm>>) target_semaphore(%arg20 : memref<!tpu.dma_semaphore, #tpu.memory_space<semaphore_mem>>)
    %dma_wait3A_421 = arith.constant 0 : i32
    %dma_wait3A_422 = arith.constant 0 : i32
    %dma_wait3A_423 = arith.constant 0 : i32
    %dma_wait3A_424 = tpu.memref_slice %arg11[%dma_wait3A_421, %dma_wait3A_422, %dma_wait3A_423] : memref<1x128x128xf32, #tpu.memory_space<vmem>> -> memref<1x128x128xf32, #tpu.memory_space<vmem>>
    %dma_wait3A_425 = arith.constant 0 : i32
    %dma_wait3A_426 = arith.constant 0 : i32
    %dma_wait3A_427 = tpu.memref_slice %arg4[%add3A_238, %dma_wait3A_425, %dma_wait3A_426] : memref<640x128x128xf32, #tpu.memory_space<hbm>> -> memref<1x128x128xf32, #tpu.memory_space<hbm>>
    %dma_wait3A_428 = arith.constant 0 : i32
    %dma_wait3A_429 = arith.constant 0 : i32
    %dma_wait3A_430 = tpu.memref_slice %arg4[%add3A_238, %dma_wait3A_428, %dma_wait3A_429] : memref<640x128x128xf32, #tpu.memory_space<hbm>> -> memref<1x128x128xf32, #tpu.memory_space<hbm>>
    %dma_wait3A_431 = arith.constant 0 : i32
    %dma_wait3A_432 = arith.constant 0 : i32
    %dma_wait3A_433 = arith.constant 0 : i32
    %dma_wait3A_434 = tpu.memref_slice %arg11[%dma_wait3A_431, %dma_wait3A_432, %dma_wait3A_433] : memref<1x128x128xf32, #tpu.memory_space<vmem>> -> memref<1x128x128xf32, #tpu.memory_space<vmem>>
    tpu.wait_dma2 semaphore(%arg23 : memref<!tpu.dma_semaphore, #tpu.memory_space<semaphore_mem>>) src(%dma_wait3A_434 : memref<1x128x128xf32, #tpu.memory_space<vmem>>) dst(%dma_wait3A_430 : memref<1x128x128xf32, #tpu.memory_space<hbm>>)
    %dma_start3A_435 = arith.constant 0 : i32
    %dma_start3A_436 = arith.constant 10 : i32
    %dma_start3A_437 = arith.constant 0 : i32
    %dma_start3A_438 = arith.constant 0 : i32
    %dma_start3A_439 = arith.constant 0 : i32
    %dma_start3A_440 = tpu.memref_slice %arg11[%dma_start3A_437, %dma_start3A_438, %dma_start3A_439] : memref<1x128x128xf32, #tpu.memory_space<vmem>> -> memref<1x128x128xf32, #tpu.memory_space<vmem>>
    %dma_start3A_441 = tpu.memref_squeeze %dma_start3A_440 : memref<1x128x128xf32, #tpu.memory_space<vmem>> -> memref<128x128xf32, #tpu.memory_space<vmem>>
    %dma_start3A_442 = arith.constant 0 : i32
    %dma_start3A_443 = tpu.memref_slice %arg6[%dma_start3A_435, %dma_start3A_436, %dma_start3A_442] : memref<1x20x128xi32, #tpu.memory_space<vmem>> -> memref<1x1x128xi32, #tpu.memory_space<vmem>>
    %dma_start3A_444 = tpu.memref_squeeze %dma_start3A_443 : memref<1x1x128xi32, #tpu.memory_space<vmem>> -> memref<128xi32, #tpu.memory_space<vmem>>
    %dma_start3A_445 = arith.constant 0 : i32
    %dma_start3A_446 = arith.constant 0 : i32
    %dma_start3A_447 = tpu.memref_slice %arg5[%dma_start3A_445, %dma_start3A_446] : memref<128x128xf32, #tpu.memory_space<vmem_shared>> -> memref<128x128xf32, #tpu.memory_space<vmem_shared>>
    tpu.enqueue_indirect_dma source(%dma_start3A_447 : memref<128x128xf32, #tpu.memory_space<vmem_shared>>) target(%dma_start3A_441 : memref<128x128xf32, #tpu.memory_space<vmem>>) offsets(%dma_start3A_444 : memref<128xi32, #tpu.memory_space<vmem>>) semaphore(%arg17 : memref<!tpu.dma_semaphore, #tpu.memory_space<semaphore_mem>>)
    %dma_wait3A_448 = arith.constant 0 : i32
    %dma_wait3A_449 = arith.constant 8 : i32
    %dma_wait3A_450 = arith.constant 0 : i32
    %dma_wait3A_451 = arith.constant 0 : i32
    %dma_wait3A_452 = arith.constant 0 : i32
    %dma_wait3A_453 = tpu.memref_slice %arg9[%dma_wait3A_450, %dma_wait3A_451, %dma_wait3A_452] : memref<1x128x128xf32, #tpu.memory_space<vmem>> -> memref<1x128x128xf32, #tpu.memory_space<vmem>>
    %dma_wait3A_454 = tpu.memref_squeeze %dma_wait3A_453 : memref<1x128x128xf32, #tpu.memory_space<vmem>> -> memref<128x128xf32, #tpu.memory_space<vmem>>
    %dma_wait3A_455 = arith.constant 0 : i32
    %dma_wait3A_456 = tpu.memref_slice %arg6[%dma_wait3A_448, %dma_wait3A_449, %dma_wait3A_455] : memref<1x20x128xi32, #tpu.memory_space<vmem>> -> memref<1x1x128xi32, #tpu.memory_space<vmem>>
    %dma_wait3A_457 = tpu.memref_squeeze %dma_wait3A_456 : memref<1x1x128xi32, #tpu.memory_space<vmem>> -> memref<128xi32, #tpu.memory_space<vmem>>
    %dma_wait3A_458 = arith.constant 0 : i32
    %dma_wait3A_459 = arith.constant 0 : i32
    %dma_wait3A_460 = tpu.memref_slice %arg5[%dma_wait3A_458, %dma_wait3A_459] : memref<128x128xf32, #tpu.memory_space<vmem_shared>> -> memref<128x128xf32, #tpu.memory_space<vmem_shared>>
    tpu.wait_indirect_dma semaphore(%arg15 : memref<!tpu.dma_semaphore, #tpu.memory_space<semaphore_mem>>) src(%dma_wait3A_460 : memref<128x128xf32, #tpu.memory_space<vmem_shared>>) dst(%dma_wait3A_454 : memref<128x128xf32, #tpu.memory_space<vmem>>)
    %add3A_461 = arith.constant 8 : i32
    %add3A_462 = arith.addi %mul3A_2, %add3A_461 : i32
    %dma_start3A_463 = arith.constant 0 : i32
    %dma_start3A_464 = arith.constant 0 : i32
    %dma_start3A_465 = arith.constant 0 : i32
    %dma_start3A_466 = tpu.memref_slice %arg9[%dma_start3A_463, %dma_start3A_464, %dma_start3A_465] : memref<1x128x128xf32, #tpu.memory_space<vmem>> -> memref<1x128x128xf32, #tpu.memory_space<vmem>>
    %dma_start3A_467 = arith.constant 0 : i32
    %dma_start3A_468 = arith.constant 0 : i32
    %dma_start3A_469 = tpu.memref_slice %arg4[%add3A_462, %dma_start3A_467, %dma_start3A_468] : memref<640x128x128xf32, #tpu.memory_space<hbm>> -> memref<1x128x128xf32, #tpu.memory_space<hbm>>
    %dma_start3A_470 = arith.constant 0 : i32
    %dma_start3A_471 = arith.constant 0 : i32
    %dma_start3A_472 = tpu.memref_slice %arg4[%add3A_462, %dma_start3A_470, %dma_start3A_471] : memref<640x128x128xf32, #tpu.memory_space<hbm>> -> memref<1x128x128xf32, #tpu.memory_space<hbm>>
    %dma_start3A_473 = arith.constant 0 : i32
    %dma_start3A_474 = arith.constant 0 : i32
    %dma_start3A_475 = arith.constant 0 : i32
    %dma_start3A_476 = tpu.memref_slice %arg9[%dma_start3A_473, %dma_start3A_474, %dma_start3A_475] : memref<1x128x128xf32, #tpu.memory_space<vmem>> -> memref<1x128x128xf32, #tpu.memory_space<vmem>>
    tpu.enqueue_dma source(%dma_start3A_476 : memref<1x128x128xf32, #tpu.memory_space<vmem>>) target(%dma_start3A_472 : memref<1x128x128xf32, #tpu.memory_space<hbm>>) target_semaphore(%arg21 : memref<!tpu.dma_semaphore, #tpu.memory_space<semaphore_mem>>)
    %dma_wait3A_477 = arith.constant 0 : i32
    %dma_wait3A_478 = arith.constant 0 : i32
    %dma_wait3A_479 = arith.constant 0 : i32
    %dma_wait3A_480 = tpu.memref_slice %arg12[%dma_wait3A_477, %dma_wait3A_478, %dma_wait3A_479] : memref<1x128x128xf32, #tpu.memory_space<vmem>> -> memref<1x128x128xf32, #tpu.memory_space<vmem>>
    %dma_wait3A_481 = arith.constant 0 : i32
    %dma_wait3A_482 = arith.constant 0 : i32
    %dma_wait3A_483 = tpu.memref_slice %arg4[%add3A_294, %dma_wait3A_481, %dma_wait3A_482] : memref<640x128x128xf32, #tpu.memory_space<hbm>> -> memref<1x128x128xf32, #tpu.memory_space<hbm>>
    %dma_wait3A_484 = arith.constant 0 : i32
    %dma_wait3A_485 = arith.constant 0 : i32
    %dma_wait3A_486 = tpu.memref_slice %arg4[%add3A_294, %dma_wait3A_484, %dma_wait3A_485] : memref<640x128x128xf32, #tpu.memory_space<hbm>> -> memref<1x128x128xf32, #tpu.memory_space<hbm>>
    %dma_wait3A_487 = arith.constant 0 : i32
    %dma_wait3A_488 = arith.constant 0 : i32
    %dma_wait3A_489 = arith.constant 0 : i32
    %dma_wait3A_490 = tpu.memref_slice %arg12[%dma_wait3A_487, %dma_wait3A_488, %dma_wait3A_489] : memref<1x128x128xf32, #tpu.memory_space<vmem>> -> memref<1x128x128xf32, #tpu.memory_space<vmem>>
    tpu.wait_dma2 semaphore(%arg24 : memref<!tpu.dma_semaphore, #tpu.memory_space<semaphore_mem>>) src(%dma_wait3A_490 : memref<1x128x128xf32, #tpu.memory_space<vmem>>) dst(%dma_wait3A_486 : memref<1x128x128xf32, #tpu.memory_space<hbm>>)
    %dma_start3A_491 = arith.constant 0 : i32
    %dma_start3A_492 = arith.constant 11 : i32
    %dma_start3A_493 = arith.constant 0 : i32
    %dma_start3A_494 = arith.constant 0 : i32
    %dma_start3A_495 = arith.constant 0 : i32
    %dma_start3A_496 = tpu.memref_slice %arg12[%dma_start3A_493, %dma_start3A_494, %dma_start3A_495] : memref<1x128x128xf32, #tpu.memory_space<vmem>> -> memref<1x128x128xf32, #tpu.memory_space<vmem>>
    %dma_start3A_497 = tpu.memref_squeeze %dma_start3A_496 : memref<1x128x128xf32, #tpu.memory_space<vmem>> -> memref<128x128xf32, #tpu.memory_space<vmem>>
    %dma_start3A_498 = arith.constant 0 : i32
    %dma_start3A_499 = tpu.memref_slice %arg6[%dma_start3A_491, %dma_start3A_492, %dma_start3A_498] : memref<1x20x128xi32, #tpu.memory_space<vmem>> -> memref<1x1x128xi32, #tpu.memory_space<vmem>>
    %dma_start3A_500 = tpu.memref_squeeze %dma_start3A_499 : memref<1x1x128xi32, #tpu.memory_space<vmem>> -> memref<128xi32, #tpu.memory_space<vmem>>
    %dma_start3A_501 = arith.constant 0 : i32
    %dma_start3A_502 = arith.constant 0 : i32
    %dma_start3A_503 = tpu.memref_slice %arg5[%dma_start3A_501, %dma_start3A_502] : memref<128x128xf32, #tpu.memory_space<vmem_shared>> -> memref<128x128xf32, #tpu.memory_space<vmem_shared>>
    tpu.enqueue_indirect_dma source(%dma_start3A_503 : memref<128x128xf32, #tpu.memory_space<vmem_shared>>) target(%dma_start3A_497 : memref<128x128xf32, #tpu.memory_space<vmem>>) offsets(%dma_start3A_500 : memref<128xi32, #tpu.memory_space<vmem>>) semaphore(%arg18 : memref<!tpu.dma_semaphore, #tpu.memory_space<semaphore_mem>>)
    %dma_wait3A_504 = arith.constant 0 : i32
    %dma_wait3A_505 = arith.constant 9 : i32
    %dma_wait3A_506 = arith.constant 0 : i32
    %dma_wait3A_507 = arith.constant 0 : i32
    %dma_wait3A_508 = arith.constant 0 : i32
    %dma_wait3A_509 = tpu.memref_slice %arg10[%dma_wait3A_506, %dma_wait3A_507, %dma_wait3A_508] : memref<1x128x128xf32, #tpu.memory_space<vmem>> -> memref<1x128x128xf32, #tpu.memory_space<vmem>>
    %dma_wait3A_510 = tpu.memref_squeeze %dma_wait3A_509 : memref<1x128x128xf32, #tpu.memory_space<vmem>> -> memref<128x128xf32, #tpu.memory_space<vmem>>
    %dma_wait3A_511 = arith.constant 0 : i32
    %dma_wait3A_512 = tpu.memref_slice %arg6[%dma_wait3A_504, %dma_wait3A_505, %dma_wait3A_511] : memref<1x20x128xi32, #tpu.memory_space<vmem>> -> memref<1x1x128xi32, #tpu.memory_space<vmem>>
    %dma_wait3A_513 = tpu.memref_squeeze %dma_wait3A_512 : memref<1x1x128xi32, #tpu.memory_space<vmem>> -> memref<128xi32, #tpu.memory_space<vmem>>
    %dma_wait3A_514 = arith.constant 0 : i32
    %dma_wait3A_515 = arith.constant 0 : i32
    %dma_wait3A_516 = tpu.memref_slice %arg5[%dma_wait3A_514, %dma_wait3A_515] : memref<128x128xf32, #tpu.memory_space<vmem_shared>> -> memref<128x128xf32, #tpu.memory_space<vmem_shared>>
    tpu.wait_indirect_dma semaphore(%arg16 : memref<!tpu.dma_semaphore, #tpu.memory_space<semaphore_mem>>) src(%dma_wait3A_516 : memref<128x128xf32, #tpu.memory_space<vmem_shared>>) dst(%dma_wait3A_510 : memref<128x128xf32, #tpu.memory_space<vmem>>)
    %add3A_517 = arith.constant 9 : i32
    %add3A_518 = arith.addi %mul3A_2, %add3A_517 : i32
    %dma_start3A_519 = arith.constant 0 : i32
    %dma_start3A_520 = arith.constant 0 : i32
    %dma_start3A_521 = arith.constant 0 : i32
    %dma_start3A_522 = tpu.memref_slice %arg10[%dma_start3A_519, %dma_start3A_520, %dma_start3A_521] : memref<1x128x128xf32, #tpu.memory_space<vmem>> -> memref<1x128x128xf32, #tpu.memory_space<vmem>>
    %dma_start3A_523 = arith.constant 0 : i32
    %dma_start3A_524 = arith.constant 0 : i32
    %dma_start3A_525 = tpu.memref_slice %arg4[%add3A_518, %dma_start3A_523, %dma_start3A_524] : memref<640x128x128xf32, #tpu.memory_space<hbm>> -> memref<1x128x128xf32, #tpu.memory_space<hbm>>
    %dma_start3A_526 = arith.constant 0 : i32
    %dma_start3A_527 = arith.constant 0 : i32
    %dma_start3A_528 = tpu.memref_slice %arg4[%add3A_518, %dma_start3A_526, %dma_start3A_527] : memref<640x128x128xf32, #tpu.memory_space<hbm>> -> memref<1x128x128xf32, #tpu.memory_space<hbm>>
    %dma_start3A_529 = arith.constant 0 : i32
    %dma_start3A_530 = arith.constant 0 : i32
    %dma_start3A_531 = arith.constant 0 : i32
    %dma_start3A_532 = tpu.memref_slice %arg10[%dma_start3A_529, %dma_start3A_530, %dma_start3A_531] : memref<1x128x128xf32, #tpu.memory_space<vmem>> -> memref<1x128x128xf32, #tpu.memory_space<vmem>>
    tpu.enqueue_dma source(%dma_start3A_532 : memref<1x128x128xf32, #tpu.memory_space<vmem>>) target(%dma_start3A_528 : memref<1x128x128xf32, #tpu.memory_space<hbm>>) target_semaphore(%arg22 : memref<!tpu.dma_semaphore, #tpu.memory_space<semaphore_mem>>)
    %dma_wait3A_533 = arith.constant 0 : i32
    %dma_wait3A_534 = arith.constant 0 : i32
    %dma_wait3A_535 = arith.constant 0 : i32
    %dma_wait3A_536 = tpu.memref_slice %arg7[%dma_wait3A_533, %dma_wait3A_534, %dma_wait3A_535] : memref<1x128x128xf32, #tpu.memory_space<vmem>> -> memref<1x128x128xf32, #tpu.memory_space<vmem>>
    %dma_wait3A_537 = arith.constant 0 : i32
    %dma_wait3A_538 = arith.constant 0 : i32
    %dma_wait3A_539 = tpu.memref_slice %arg4[%add3A_350, %dma_wait3A_537, %dma_wait3A_538] : memref<640x128x128xf32, #tpu.memory_space<hbm>> -> memref<1x128x128xf32, #tpu.memory_space<hbm>>
    %dma_wait3A_540 = arith.constant 0 : i32
    %dma_wait3A_541 = arith.constant 0 : i32
    %dma_wait3A_542 = tpu.memref_slice %arg4[%add3A_350, %dma_wait3A_540, %dma_wait3A_541] : memref<640x128x128xf32, #tpu.memory_space<hbm>> -> memref<1x128x128xf32, #tpu.memory_space<hbm>>
    %dma_wait3A_543 = arith.constant 0 : i32
    %dma_wait3A_544 = arith.constant 0 : i32
    %dma_wait3A_545 = arith.constant 0 : i32
    %dma_wait3A_546 = tpu.memref_slice %arg7[%dma_wait3A_543, %dma_wait3A_544, %dma_wait3A_545] : memref<1x128x128xf32, #tpu.memory_space<vmem>> -> memref<1x128x128xf32, #tpu.memory_space<vmem>>
    tpu.wait_dma2 semaphore(%arg19 : memref<!tpu.dma_semaphore, #tpu.memory_space<semaphore_mem>>) src(%dma_wait3A_546 : memref<1x128x128xf32, #tpu.memory_space<vmem>>) dst(%dma_wait3A_542 : memref<1x128x128xf32, #tpu.memory_space<hbm>>)
    %dma_start3A_547 = arith.constant 0 : i32
    %dma_start3A_548 = arith.constant 12 : i32
    %dma_start3A_549 = arith.constant 0 : i32
    %dma_start3A_550 = arith.constant 0 : i32
    %dma_start3A_551 = arith.constant 0 : i32
    %dma_start3A_552 = tpu.memref_slice %arg7[%dma_start3A_549, %dma_start3A_550, %dma_start3A_551] : memref<1x128x128xf32, #tpu.memory_space<vmem>> -> memref<1x128x128xf32, #tpu.memory_space<vmem>>
    %dma_start3A_553 = tpu.memref_squeeze %dma_start3A_552 : memref<1x128x128xf32, #tpu.memory_space<vmem>> -> memref<128x128xf32, #tpu.memory_space<vmem>>
    %dma_start3A_554 = arith.constant 0 : i32
    %dma_start3A_555 = tpu.memref_slice %arg6[%dma_start3A_547, %dma_start3A_548, %dma_start3A_554] : memref<1x20x128xi32, #tpu.memory_space<vmem>> -> memref<1x1x128xi32, #tpu.memory_space<vmem>>
    %dma_start3A_556 = tpu.memref_squeeze %dma_start3A_555 : memref<1x1x128xi32, #tpu.memory_space<vmem>> -> memref<128xi32, #tpu.memory_space<vmem>>
    %dma_start3A_557 = arith.constant 0 : i32
    %dma_start3A_558 = arith.constant 0 : i32
    %dma_start3A_559 = tpu.memref_slice %arg5[%dma_start3A_557, %dma_start3A_558] : memref<128x128xf32, #tpu.memory_space<vmem_shared>> -> memref<128x128xf32, #tpu.memory_space<vmem_shared>>
    tpu.enqueue_indirect_dma source(%dma_start3A_559 : memref<128x128xf32, #tpu.memory_space<vmem_shared>>) target(%dma_start3A_553 : memref<128x128xf32, #tpu.memory_space<vmem>>) offsets(%dma_start3A_556 : memref<128xi32, #tpu.memory_space<vmem>>) semaphore(%arg13 : memref<!tpu.dma_semaphore, #tpu.memory_space<semaphore_mem>>)
    %dma_wait3A_560 = arith.constant 0 : i32
    %dma_wait3A_561 = arith.constant 10 : i32
    %dma_wait3A_562 = arith.constant 0 : i32
    %dma_wait3A_563 = arith.constant 0 : i32
    %dma_wait3A_564 = arith.constant 0 : i32
    %dma_wait3A_565 = tpu.memref_slice %arg11[%dma_wait3A_562, %dma_wait3A_563, %dma_wait3A_564] : memref<1x128x128xf32, #tpu.memory_space<vmem>> -> memref<1x128x128xf32, #tpu.memory_space<vmem>>
    %dma_wait3A_566 = tpu.memref_squeeze %dma_wait3A_565 : memref<1x128x128xf32, #tpu.memory_space<vmem>> -> memref<128x128xf32, #tpu.memory_space<vmem>>
    %dma_wait3A_567 = arith.constant 0 : i32
    %dma_wait3A_568 = tpu.memref_slice %arg6[%dma_wait3A_560, %dma_wait3A_561, %dma_wait3A_567] : memref<1x20x128xi32, #tpu.memory_space<vmem>> -> memref<1x1x128xi32, #tpu.memory_space<vmem>>
    %dma_wait3A_569 = tpu.memref_squeeze %dma_wait3A_568 : memref<1x1x128xi32, #tpu.memory_space<vmem>> -> memref<128xi32, #tpu.memory_space<vmem>>
    %dma_wait3A_570 = arith.constant 0 : i32
    %dma_wait3A_571 = arith.constant 0 : i32
    %dma_wait3A_572 = tpu.memref_slice %arg5[%dma_wait3A_570, %dma_wait3A_571] : memref<128x128xf32, #tpu.memory_space<vmem_shared>> -> memref<128x128xf32, #tpu.memory_space<vmem_shared>>
    tpu.wait_indirect_dma semaphore(%arg17 : memref<!tpu.dma_semaphore, #tpu.memory_space<semaphore_mem>>) src(%dma_wait3A_572 : memref<128x128xf32, #tpu.memory_space<vmem_shared>>) dst(%dma_wait3A_566 : memref<128x128xf32, #tpu.memory_space<vmem>>)
    %add3A_573 = arith.constant 10 : i32
    %add3A_574 = arith.addi %mul3A_2, %add3A_573 : i32
    %dma_start3A_575 = arith.constant 0 : i32
    %dma_start3A_576 = arith.constant 0 : i32
    %dma_start3A_577 = arith.constant 0 : i32
    %dma_start3A_578 = tpu.memref_slice %arg11[%dma_start3A_575, %dma_start3A_576, %dma_start3A_577] : memref<1x128x128xf32, #tpu.memory_space<vmem>> -> memref<1x128x128xf32, #tpu.memory_space<vmem>>
    %dma_start3A_579 = arith.constant 0 : i32
    %dma_start3A_580 = arith.constant 0 : i32
    %dma_start3A_581 = tpu.memref_slice %arg4[%add3A_574, %dma_start3A_579, %dma_start3A_580] : memref<640x128x128xf32, #tpu.memory_space<hbm>> -> memref<1x128x128xf32, #tpu.memory_space<hbm>>
    %dma_start3A_582 = arith.constant 0 : i32
    %dma_start3A_583 = arith.constant 0 : i32
    %dma_start3A_584 = tpu.memref_slice %arg4[%add3A_574, %dma_start3A_582, %dma_start3A_583] : memref<640x128x128xf32, #tpu.memory_space<hbm>> -> memref<1x128x128xf32, #tpu.memory_space<hbm>>
    %dma_start3A_585 = arith.constant 0 : i32
    %dma_start3A_586 = arith.constant 0 : i32
    %dma_start3A_587 = arith.constant 0 : i32
    %dma_start3A_588 = tpu.memref_slice %arg11[%dma_start3A_585, %dma_start3A_586, %dma_start3A_587] : memref<1x128x128xf32, #tpu.memory_space<vmem>> -> memref<1x128x128xf32, #tpu.memory_space<vmem>>
    tpu.enqueue_dma source(%dma_start3A_588 : memref<1x128x128xf32, #tpu.memory_space<vmem>>) target(%dma_start3A_584 : memref<1x128x128xf32, #tpu.memory_space<hbm>>) target_semaphore(%arg23 : memref<!tpu.dma_semaphore, #tpu.memory_space<semaphore_mem>>)
    %dma_wait3A_589 = arith.constant 0 : i32
    %dma_wait3A_590 = arith.constant 0 : i32
    %dma_wait3A_591 = arith.constant 0 : i32
    %dma_wait3A_592 = tpu.memref_slice %arg8[%dma_wait3A_589, %dma_wait3A_590, %dma_wait3A_591] : memref<1x128x128xf32, #tpu.memory_space<vmem>> -> memref<1x128x128xf32, #tpu.memory_space<vmem>>
    %dma_wait3A_593 = arith.constant 0 : i32
    %dma_wait3A_594 = arith.constant 0 : i32
    %dma_wait3A_595 = tpu.memref_slice %arg4[%add3A_406, %dma_wait3A_593, %dma_wait3A_594] : memref<640x128x128xf32, #tpu.memory_space<hbm>> -> memref<1x128x128xf32, #tpu.memory_space<hbm>>
    %dma_wait3A_596 = arith.constant 0 : i32
    %dma_wait3A_597 = arith.constant 0 : i32
    %dma_wait3A_598 = tpu.memref_slice %arg4[%add3A_406, %dma_wait3A_596, %dma_wait3A_597] : memref<640x128x128xf32, #tpu.memory_space<hbm>> -> memref<1x128x128xf32, #tpu.memory_space<hbm>>
    %dma_wait3A_599 = arith.constant 0 : i32
    %dma_wait3A_600 = arith.constant 0 : i32
    %dma_wait3A_601 = arith.constant 0 : i32
    %dma_wait3A_602 = tpu.memref_slice %arg8[%dma_wait3A_599, %dma_wait3A_600, %dma_wait3A_601] : memref<1x128x128xf32, #tpu.memory_space<vmem>> -> memref<1x128x128xf32, #tpu.memory_space<vmem>>
    tpu.wait_dma2 semaphore(%arg20 : memref<!tpu.dma_semaphore, #tpu.memory_space<semaphore_mem>>) src(%dma_wait3A_602 : memref<1x128x128xf32, #tpu.memory_space<vmem>>) dst(%dma_wait3A_598 : memref<1x128x128xf32, #tpu.memory_space<hbm>>)
    %dma_start3A_603 = arith.constant 0 : i32
    %dma_start3A_604 = arith.constant 13 : i32
    %dma_start3A_605 = arith.constant 0 : i32
    %dma_start3A_606 = arith.constant 0 : i32
    %dma_start3A_607 = arith.constant 0 : i32
    %dma_start3A_608 = tpu.memref_slice %arg8[%dma_start3A_605, %dma_start3A_606, %dma_start3A_607] : memref<1x128x128xf32, #tpu.memory_space<vmem>> -> memref<1x128x128xf32, #tpu.memory_space<vmem>>
    %dma_start3A_609 = tpu.memref_squeeze %dma_start3A_608 : memref<1x128x128xf32, #tpu.memory_space<vmem>> -> memref<128x128xf32, #tpu.memory_space<vmem>>
    %dma_start3A_610 = arith.constant 0 : i32
    %dma_start3A_611 = tpu.memref_slice %arg6[%dma_start3A_603, %dma_start3A_604, %dma_start3A_610] : memref<1x20x128xi32, #tpu.memory_space<vmem>> -> memref<1x1x128xi32, #tpu.memory_space<vmem>>
    %dma_start3A_612 = tpu.memref_squeeze %dma_start3A_611 : memref<1x1x128xi32, #tpu.memory_space<vmem>> -> memref<128xi32, #tpu.memory_space<vmem>>
    %dma_start3A_613 = arith.constant 0 : i32
    %dma_start3A_614 = arith.constant 0 : i32
    %dma_start3A_615 = tpu.memref_slice %arg5[%dma_start3A_613, %dma_start3A_614] : memref<128x128xf32, #tpu.memory_space<vmem_shared>> -> memref<128x128xf32, #tpu.memory_space<vmem_shared>>
    tpu.enqueue_indirect_dma source(%dma_start3A_615 : memref<128x128xf32, #tpu.memory_space<vmem_shared>>) target(%dma_start3A_609 : memref<128x128xf32, #tpu.memory_space<vmem>>) offsets(%dma_start3A_612 : memref<128xi32, #tpu.memory_space<vmem>>) semaphore(%arg14 : memref<!tpu.dma_semaphore, #tpu.memory_space<semaphore_mem>>)
    %dma_wait3A_616 = arith.constant 0 : i32
    %dma_wait3A_617 = arith.constant 11 : i32
    %dma_wait3A_618 = arith.constant 0 : i32
    %dma_wait3A_619 = arith.constant 0 : i32
    %dma_wait3A_620 = arith.constant 0 : i32
    %dma_wait3A_621 = tpu.memref_slice %arg12[%dma_wait3A_618, %dma_wait3A_619, %dma_wait3A_620] : memref<1x128x128xf32, #tpu.memory_space<vmem>> -> memref<1x128x128xf32, #tpu.memory_space<vmem>>
    %dma_wait3A_622 = tpu.memref_squeeze %dma_wait3A_621 : memref<1x128x128xf32, #tpu.memory_space<vmem>> -> memref<128x128xf32, #tpu.memory_space<vmem>>
    %dma_wait3A_623 = arith.constant 0 : i32
    %dma_wait3A_624 = tpu.memref_slice %arg6[%dma_wait3A_616, %dma_wait3A_617, %dma_wait3A_623] : memref<1x20x128xi32, #tpu.memory_space<vmem>> -> memref<1x1x128xi32, #tpu.memory_space<vmem>>
    %dma_wait3A_625 = tpu.memref_squeeze %dma_wait3A_624 : memref<1x1x128xi32, #tpu.memory_space<vmem>> -> memref<128xi32, #tpu.memory_space<vmem>>
    %dma_wait3A_626 = arith.constant 0 : i32
    %dma_wait3A_627 = arith.constant 0 : i32
    %dma_wait3A_628 = tpu.memref_slice %arg5[%dma_wait3A_626, %dma_wait3A_627] : memref<128x128xf32, #tpu.memory_space<vmem_shared>> -> memref<128x128xf32, #tpu.memory_space<vmem_shared>>
    tpu.wait_indirect_dma semaphore(%arg18 : memref<!tpu.dma_semaphore, #tpu.memory_space<semaphore_mem>>) src(%dma_wait3A_628 : memref<128x128xf32, #tpu.memory_space<vmem_shared>>) dst(%dma_wait3A_622 : memref<128x128xf32, #tpu.memory_space<vmem>>)
    %add3A_629 = arith.constant 11 : i32
    %add3A_630 = arith.addi %mul3A_2, %add3A_629 : i32
    %dma_start3A_631 = arith.constant 0 : i32
    %dma_start3A_632 = arith.constant 0 : i32
    %dma_start3A_633 = arith.constant 0 : i32
    %dma_start3A_634 = tpu.memref_slice %arg12[%dma_start3A_631, %dma_start3A_632, %dma_start3A_633] : memref<1x128x128xf32, #tpu.memory_space<vmem>> -> memref<1x128x128xf32, #tpu.memory_space<vmem>>
    %dma_start3A_635 = arith.constant 0 : i32
    %dma_start3A_636 = arith.constant 0 : i32
    %dma_start3A_637 = tpu.memref_slice %arg4[%add3A_630, %dma_start3A_635, %dma_start3A_636] : memref<640x128x128xf32, #tpu.memory_space<hbm>> -> memref<1x128x128xf32, #tpu.memory_space<hbm>>
    %dma_start3A_638 = arith.constant 0 : i32
    %dma_start3A_639 = arith.constant 0 : i32
    %dma_start3A_640 = tpu.memref_slice %arg4[%add3A_630, %dma_start3A_638, %dma_start3A_639] : memref<640x128x128xf32, #tpu.memory_space<hbm>> -> memref<1x128x128xf32, #tpu.memory_space<hbm>>
    %dma_start3A_641 = arith.constant 0 : i32
    %dma_start3A_642 = arith.constant 0 : i32
    %dma_start3A_643 = arith.constant 0 : i32
    %dma_start3A_644 = tpu.memref_slice %arg12[%dma_start3A_641, %dma_start3A_642, %dma_start3A_643] : memref<1x128x128xf32, #tpu.memory_space<vmem>> -> memref<1x128x128xf32, #tpu.memory_space<vmem>>
    tpu.enqueue_dma source(%dma_start3A_644 : memref<1x128x128xf32, #tpu.memory_space<vmem>>) target(%dma_start3A_640 : memref<1x128x128xf32, #tpu.memory_space<hbm>>) target_semaphore(%arg24 : memref<!tpu.dma_semaphore, #tpu.memory_space<semaphore_mem>>)
    %dma_wait3A_645 = arith.constant 0 : i32
    %dma_wait3A_646 = arith.constant 0 : i32
    %dma_wait3A_647 = arith.constant 0 : i32
    %dma_wait3A_648 = tpu.memref_slice %arg9[%dma_wait3A_645, %dma_wait3A_646, %dma_wait3A_647] : memref<1x128x128xf32, #tpu.memory_space<vmem>> -> memref<1x128x128xf32, #tpu.memory_space<vmem>>
    %dma_wait3A_649 = arith.constant 0 : i32
    %dma_wait3A_650 = arith.constant 0 : i32
    %dma_wait3A_651 = tpu.memref_slice %arg4[%add3A_462, %dma_wait3A_649, %dma_wait3A_650] : memref<640x128x128xf32, #tpu.memory_space<hbm>> -> memref<1x128x128xf32, #tpu.memory_space<hbm>>
    %dma_wait3A_652 = arith.constant 0 : i32
    %dma_wait3A_653 = arith.constant 0 : i32
    %dma_wait3A_654 = tpu.memref_slice %arg4[%add3A_462, %dma_wait3A_652, %dma_wait3A_653] : memref<640x128x128xf32, #tpu.memory_space<hbm>> -> memref<1x128x128xf32, #tpu.memory_space<hbm>>
    %dma_wait3A_655 = arith.constant 0 : i32
    %dma_wait3A_656 = arith.constant 0 : i32
    %dma_wait3A_657 = arith.constant 0 : i32
    %dma_wait3A_658 = tpu.memref_slice %arg9[%dma_wait3A_655, %dma_wait3A_656, %dma_wait3A_657] : memref<1x128x128xf32, #tpu.memory_space<vmem>> -> memref<1x128x128xf32, #tpu.memory_space<vmem>>
    tpu.wait_dma2 semaphore(%arg21 : memref<!tpu.dma_semaphore, #tpu.memory_space<semaphore_mem>>) src(%dma_wait3A_658 : memref<1x128x128xf32, #tpu.memory_space<vmem>>) dst(%dma_wait3A_654 : memref<1x128x128xf32, #tpu.memory_space<hbm>>)
    %dma_start3A_659 = arith.constant 0 : i32
    %dma_start3A_660 = arith.constant 14 : i32
    %dma_start3A_661 = arith.constant 0 : i32
    %dma_start3A_662 = arith.constant 0 : i32
    %dma_start3A_663 = arith.constant 0 : i32
    %dma_start3A_664 = tpu.memref_slice %arg9[%dma_start3A_661, %dma_start3A_662, %dma_start3A_663] : memref<1x128x128xf32, #tpu.memory_space<vmem>> -> memref<1x128x128xf32, #tpu.memory_space<vmem>>
    %dma_start3A_665 = tpu.memref_squeeze %dma_start3A_664 : memref<1x128x128xf32, #tpu.memory_space<vmem>> -> memref<128x128xf32, #tpu.memory_space<vmem>>
    %dma_start3A_666 = arith.constant 0 : i32
    %dma_start3A_667 = tpu.memref_slice %arg6[%dma_start3A_659, %dma_start3A_660, %dma_start3A_666] : memref<1x20x128xi32, #tpu.memory_space<vmem>> -> memref<1x1x128xi32, #tpu.memory_space<vmem>>
    %dma_start3A_668 = tpu.memref_squeeze %dma_start3A_667 : memref<1x1x128xi32, #tpu.memory_space<vmem>> -> memref<128xi32, #tpu.memory_space<vmem>>
    %dma_start3A_669 = arith.constant 0 : i32
    %dma_start3A_670 = arith.constant 0 : i32
    %dma_start3A_671 = tpu.memref_slice %arg5[%dma_start3A_669, %dma_start3A_670] : memref<128x128xf32, #tpu.memory_space<vmem_shared>> -> memref<128x128xf32, #tpu.memory_space<vmem_shared>>
    tpu.enqueue_indirect_dma source(%dma_start3A_671 : memref<128x128xf32, #tpu.memory_space<vmem_shared>>) target(%dma_start3A_665 : memref<128x128xf32, #tpu.memory_space<vmem>>) offsets(%dma_start3A_668 : memref<128xi32, #tpu.memory_space<vmem>>) semaphore(%arg15 : memref<!tpu.dma_semaphore, #tpu.memory_space<semaphore_mem>>)
    %dma_wait3A_672 = arith.constant 0 : i32
    %dma_wait3A_673 = arith.constant 12 : i32
    %dma_wait3A_674 = arith.constant 0 : i32
    %dma_wait3A_675 = arith.constant 0 : i32
    %dma_wait3A_676 = arith.constant 0 : i32
    %dma_wait3A_677 = tpu.memref_slice %arg7[%dma_wait3A_674, %dma_wait3A_675, %dma_wait3A_676] : memref<1x128x128xf32, #tpu.memory_space<vmem>> -> memref<1x128x128xf32, #tpu.memory_space<vmem>>
    %dma_wait3A_678 = tpu.memref_squeeze %dma_wait3A_677 : memref<1x128x128xf32, #tpu.memory_space<vmem>> -> memref<128x128xf32, #tpu.memory_space<vmem>>
    %dma_wait3A_679 = arith.constant 0 : i32
    %dma_wait3A_680 = tpu.memref_slice %arg6[%dma_wait3A_672, %dma_wait3A_673, %dma_wait3A_679] : memref<1x20x128xi32, #tpu.memory_space<vmem>> -> memref<1x1x128xi32, #tpu.memory_space<vmem>>
    %dma_wait3A_681 = tpu.memref_squeeze %dma_wait3A_680 : memref<1x1x128xi32, #tpu.memory_space<vmem>> -> memref<128xi32, #tpu.memory_space<vmem>>
    %dma_wait3A_682 = arith.constant 0 : i32
    %dma_wait3A_683 = arith.constant 0 : i32
    %dma_wait3A_684 = tpu.memref_slice %arg5[%dma_wait3A_682, %dma_wait3A_683] : memref<128x128xf32, #tpu.memory_space<vmem_shared>> -> memref<128x128xf32, #tpu.memory_space<vmem_shared>>
    tpu.wait_indirect_dma semaphore(%arg13 : memref<!tpu.dma_semaphore, #tpu.memory_space<semaphore_mem>>) src(%dma_wait3A_684 : memref<128x128xf32, #tpu.memory_space<vmem_shared>>) dst(%dma_wait3A_678 : memref<128x128xf32, #tpu.memory_space<vmem>>)
    %add3A_685 = arith.constant 12 : i32
    %add3A_686 = arith.addi %mul3A_2, %add3A_685 : i32
    %dma_start3A_687 = arith.constant 0 : i32
    %dma_start3A_688 = arith.constant 0 : i32
    %dma_start3A_689 = arith.constant 0 : i32
    %dma_start3A_690 = tpu.memref_slice %arg7[%dma_start3A_687, %dma_start3A_688, %dma_start3A_689] : memref<1x128x128xf32, #tpu.memory_space<vmem>> -> memref<1x128x128xf32, #tpu.memory_space<vmem>>
    %dma_start3A_691 = arith.constant 0 : i32
    %dma_start3A_692 = arith.constant 0 : i32
    %dma_start3A_693 = tpu.memref_slice %arg4[%add3A_686, %dma_start3A_691, %dma_start3A_692] : memref<640x128x128xf32, #tpu.memory_space<hbm>> -> memref<1x128x128xf32, #tpu.memory_space<hbm>>
    %dma_start3A_694 = arith.constant 0 : i32
    %dma_start3A_695 = arith.constant 0 : i32
    %dma_start3A_696 = tpu.memref_slice %arg4[%add3A_686, %dma_start3A_694, %dma_start3A_695] : memref<640x128x128xf32, #tpu.memory_space<hbm>> -> memref<1x128x128xf32, #tpu.memory_space<hbm>>
    %dma_start3A_697 = arith.constant 0 : i32
    %dma_start3A_698 = arith.constant 0 : i32
    %dma_start3A_699 = arith.constant 0 : i32
    %dma_start3A_700 = tpu.memref_slice %arg7[%dma_start3A_697, %dma_start3A_698, %dma_start3A_699] : memref<1x128x128xf32, #tpu.memory_space<vmem>> -> memref<1x128x128xf32, #tpu.memory_space<vmem>>
    tpu.enqueue_dma source(%dma_start3A_700 : memref<1x128x128xf32, #tpu.memory_space<vmem>>) target(%dma_start3A_696 : memref<1x128x128xf32, #tpu.memory_space<hbm>>) target_semaphore(%arg19 : memref<!tpu.dma_semaphore, #tpu.memory_space<semaphore_mem>>)
    %dma_wait3A_701 = arith.constant 0 : i32
    %dma_wait3A_702 = arith.constant 0 : i32
    %dma_wait3A_703 = arith.constant 0 : i32
    %dma_wait3A_704 = tpu.memref_slice %arg10[%dma_wait3A_701, %dma_wait3A_702, %dma_wait3A_703] : memref<1x128x128xf32, #tpu.memory_space<vmem>> -> memref<1x128x128xf32, #tpu.memory_space<vmem>>
    %dma_wait3A_705 = arith.constant 0 : i32
    %dma_wait3A_706 = arith.constant 0 : i32
    %dma_wait3A_707 = tpu.memref_slice %arg4[%add3A_518, %dma_wait3A_705, %dma_wait3A_706] : memref<640x128x128xf32, #tpu.memory_space<hbm>> -> memref<1x128x128xf32, #tpu.memory_space<hbm>>
    %dma_wait3A_708 = arith.constant 0 : i32
    %dma_wait3A_709 = arith.constant 0 : i32
    %dma_wait3A_710 = tpu.memref_slice %arg4[%add3A_518, %dma_wait3A_708, %dma_wait3A_709] : memref<640x128x128xf32, #tpu.memory_space<hbm>> -> memref<1x128x128xf32, #tpu.memory_space<hbm>>
    %dma_wait3A_711 = arith.constant 0 : i32
    %dma_wait3A_712 = arith.constant 0 : i32
    %dma_wait3A_713 = arith.constant 0 : i32
    %dma_wait3A_714 = tpu.memref_slice %arg10[%dma_wait3A_711, %dma_wait3A_712, %dma_wait3A_713] : memref<1x128x128xf32, #tpu.memory_space<vmem>> -> memref<1x128x128xf32, #tpu.memory_space<vmem>>
    tpu.wait_dma2 semaphore(%arg22 : memref<!tpu.dma_semaphore, #tpu.memory_space<semaphore_mem>>) src(%dma_wait3A_714 : memref<1x128x128xf32, #tpu.memory_space<vmem>>) dst(%dma_wait3A_710 : memref<1x128x128xf32, #tpu.memory_space<hbm>>)
    %dma_start3A_715 = arith.constant 0 : i32
    %dma_start3A_716 = arith.constant 15 : i32
    %dma_start3A_717 = arith.constant 0 : i32
    %dma_start3A_718 = arith.constant 0 : i32
    %dma_start3A_719 = arith.constant 0 : i32
    %dma_start3A_720 = tpu.memref_slice %arg10[%dma_start3A_717, %dma_start3A_718, %dma_start3A_719] : memref<1x128x128xf32, #tpu.memory_space<vmem>> -> memref<1x128x128xf32, #tpu.memory_space<vmem>>
    %dma_start3A_721 = tpu.memref_squeeze %dma_start3A_720 : memref<1x128x128xf32, #tpu.memory_space<vmem>> -> memref<128x128xf32, #tpu.memory_space<vmem>>
    %dma_start3A_722 = arith.constant 0 : i32
    %dma_start3A_723 = tpu.memref_slice %arg6[%dma_start3A_715, %dma_start3A_716, %dma_start3A_722] : memref<1x20x128xi32, #tpu.memory_space<vmem>> -> memref<1x1x128xi32, #tpu.memory_space<vmem>>
    %dma_start3A_724 = tpu.memref_squeeze %dma_start3A_723 : memref<1x1x128xi32, #tpu.memory_space<vmem>> -> memref<128xi32, #tpu.memory_space<vmem>>
    %dma_start3A_725 = arith.constant 0 : i32
    %dma_start3A_726 = arith.constant 0 : i32
    %dma_start3A_727 = tpu.memref_slice %arg5[%dma_start3A_725, %dma_start3A_726] : memref<128x128xf32, #tpu.memory_space<vmem_shared>> -> memref<128x128xf32, #tpu.memory_space<vmem_shared>>
    tpu.enqueue_indirect_dma source(%dma_start3A_727 : memref<128x128xf32, #tpu.memory_space<vmem_shared>>) target(%dma_start3A_721 : memref<128x128xf32, #tpu.memory_space<vmem>>) offsets(%dma_start3A_724 : memref<128xi32, #tpu.memory_space<vmem>>) semaphore(%arg16 : memref<!tpu.dma_semaphore, #tpu.memory_space<semaphore_mem>>)
    %dma_wait3A_728 = arith.constant 0 : i32
    %dma_wait3A_729 = arith.constant 13 : i32
    %dma_wait3A_730 = arith.constant 0 : i32
    %dma_wait3A_731 = arith.constant 0 : i32
    %dma_wait3A_732 = arith.constant 0 : i32
    %dma_wait3A_733 = tpu.memref_slice %arg8[%dma_wait3A_730, %dma_wait3A_731, %dma_wait3A_732] : memref<1x128x128xf32, #tpu.memory_space<vmem>> -> memref<1x128x128xf32, #tpu.memory_space<vmem>>
    %dma_wait3A_734 = tpu.memref_squeeze %dma_wait3A_733 : memref<1x128x128xf32, #tpu.memory_space<vmem>> -> memref<128x128xf32, #tpu.memory_space<vmem>>
    %dma_wait3A_735 = arith.constant 0 : i32
    %dma_wait3A_736 = tpu.memref_slice %arg6[%dma_wait3A_728, %dma_wait3A_729, %dma_wait3A_735] : memref<1x20x128xi32, #tpu.memory_space<vmem>> -> memref<1x1x128xi32, #tpu.memory_space<vmem>>
    %dma_wait3A_737 = tpu.memref_squeeze %dma_wait3A_736 : memref<1x1x128xi32, #tpu.memory_space<vmem>> -> memref<128xi32, #tpu.memory_space<vmem>>
    %dma_wait3A_738 = arith.constant 0 : i32
    %dma_wait3A_739 = arith.constant 0 : i32
    %dma_wait3A_740 = tpu.memref_slice %arg5[%dma_wait3A_738, %dma_wait3A_739] : memref<128x128xf32, #tpu.memory_space<vmem_shared>> -> memref<128x128xf32, #tpu.memory_space<vmem_shared>>
    tpu.wait_indirect_dma semaphore(%arg14 : memref<!tpu.dma_semaphore, #tpu.memory_space<semaphore_mem>>) src(%dma_wait3A_740 : memref<128x128xf32, #tpu.memory_space<vmem_shared>>) dst(%dma_wait3A_734 : memref<128x128xf32, #tpu.memory_space<vmem>>)
    %add3A_741 = arith.constant 13 : i32
    %add3A_742 = arith.addi %mul3A_2, %add3A_741 : i32
    %dma_start3A_743 = arith.constant 0 : i32
    %dma_start3A_744 = arith.constant 0 : i32
    %dma_start3A_745 = arith.constant 0 : i32
    %dma_start3A_746 = tpu.memref_slice %arg8[%dma_start3A_743, %dma_start3A_744, %dma_start3A_745] : memref<1x128x128xf32, #tpu.memory_space<vmem>> -> memref<1x128x128xf32, #tpu.memory_space<vmem>>
    %dma_start3A_747 = arith.constant 0 : i32
    %dma_start3A_748 = arith.constant 0 : i32
    %dma_start3A_749 = tpu.memref_slice %arg4[%add3A_742, %dma_start3A_747, %dma_start3A_748] : memref<640x128x128xf32, #tpu.memory_space<hbm>> -> memref<1x128x128xf32, #tpu.memory_space<hbm>>
    %dma_start3A_750 = arith.constant 0 : i32
    %dma_start3A_751 = arith.constant 0 : i32
    %dma_start3A_752 = tpu.memref_slice %arg4[%add3A_742, %dma_start3A_750, %dma_start3A_751] : memref<640x128x128xf32, #tpu.memory_space<hbm>> -> memref<1x128x128xf32, #tpu.memory_space<hbm>>
    %dma_start3A_753 = arith.constant 0 : i32
    %dma_start3A_754 = arith.constant 0 : i32
    %dma_start3A_755 = arith.constant 0 : i32
    %dma_start3A_756 = tpu.memref_slice %arg8[%dma_start3A_753, %dma_start3A_754, %dma_start3A_755] : memref<1x128x128xf32, #tpu.memory_space<vmem>> -> memref<1x128x128xf32, #tpu.memory_space<vmem>>
    tpu.enqueue_dma source(%dma_start3A_756 : memref<1x128x128xf32, #tpu.memory_space<vmem>>) target(%dma_start3A_752 : memref<1x128x128xf32, #tpu.memory_space<hbm>>) target_semaphore(%arg20 : memref<!tpu.dma_semaphore, #tpu.memory_space<semaphore_mem>>)
    %dma_wait3A_757 = arith.constant 0 : i32
    %dma_wait3A_758 = arith.constant 0 : i32
    %dma_wait3A_759 = arith.constant 0 : i32
    %dma_wait3A_760 = tpu.memref_slice %arg11[%dma_wait3A_757, %dma_wait3A_758, %dma_wait3A_759] : memref<1x128x128xf32, #tpu.memory_space<vmem>> -> memref<1x128x128xf32, #tpu.memory_space<vmem>>
    %dma_wait3A_761 = arith.constant 0 : i32
    %dma_wait3A_762 = arith.constant 0 : i32
    %dma_wait3A_763 = tpu.memref_slice %arg4[%add3A_574, %dma_wait3A_761, %dma_wait3A_762] : memref<640x128x128xf32, #tpu.memory_space<hbm>> -> memref<1x128x128xf32, #tpu.memory_space<hbm>>
    %dma_wait3A_764 = arith.constant 0 : i32
    %dma_wait3A_765 = arith.constant 0 : i32
    %dma_wait3A_766 = tpu.memref_slice %arg4[%add3A_574, %dma_wait3A_764, %dma_wait3A_765] : memref<640x128x128xf32, #tpu.memory_space<hbm>> -> memref<1x128x128xf32, #tpu.memory_space<hbm>>
    %dma_wait3A_767 = arith.constant 0 : i32
    %dma_wait3A_768 = arith.constant 0 : i32
    %dma_wait3A_769 = arith.constant 0 : i32
    %dma_wait3A_770 = tpu.memref_slice %arg11[%dma_wait3A_767, %dma_wait3A_768, %dma_wait3A_769] : memref<1x128x128xf32, #tpu.memory_space<vmem>> -> memref<1x128x128xf32, #tpu.memory_space<vmem>>
    tpu.wait_dma2 semaphore(%arg23 : memref<!tpu.dma_semaphore, #tpu.memory_space<semaphore_mem>>) src(%dma_wait3A_770 : memref<1x128x128xf32, #tpu.memory_space<vmem>>) dst(%dma_wait3A_766 : memref<1x128x128xf32, #tpu.memory_space<hbm>>)
    %dma_start3A_771 = arith.constant 0 : i32
    %dma_start3A_772 = arith.constant 16 : i32
    %dma_start3A_773 = arith.constant 0 : i32
    %dma_start3A_774 = arith.constant 0 : i32
    %dma_start3A_775 = arith.constant 0 : i32
    %dma_start3A_776 = tpu.memref_slice %arg11[%dma_start3A_773, %dma_start3A_774, %dma_start3A_775] : memref<1x128x128xf32, #tpu.memory_space<vmem>> -> memref<1x128x128xf32, #tpu.memory_space<vmem>>
    %dma_start3A_777 = tpu.memref_squeeze %dma_start3A_776 : memref<1x128x128xf32, #tpu.memory_space<vmem>> -> memref<128x128xf32, #tpu.memory_space<vmem>>
    %dma_start3A_778 = arith.constant 0 : i32
    %dma_start3A_779 = tpu.memref_slice %arg6[%dma_start3A_771, %dma_start3A_772, %dma_start3A_778] : memref<1x20x128xi32, #tpu.memory_space<vmem>> -> memref<1x1x128xi32, #tpu.memory_space<vmem>>
    %dma_start3A_780 = tpu.memref_squeeze %dma_start3A_779 : memref<1x1x128xi32, #tpu.memory_space<vmem>> -> memref<128xi32, #tpu.memory_space<vmem>>
    %dma_start3A_781 = arith.constant 0 : i32
    %dma_start3A_782 = arith.constant 0 : i32
    %dma_start3A_783 = tpu.memref_slice %arg5[%dma_start3A_781, %dma_start3A_782] : memref<128x128xf32, #tpu.memory_space<vmem_shared>> -> memref<128x128xf32, #tpu.memory_space<vmem_shared>>
    tpu.enqueue_indirect_dma source(%dma_start3A_783 : memref<128x128xf32, #tpu.memory_space<vmem_shared>>) target(%dma_start3A_777 : memref<128x128xf32, #tpu.memory_space<vmem>>) offsets(%dma_start3A_780 : memref<128xi32, #tpu.memory_space<vmem>>) semaphore(%arg17 : memref<!tpu.dma_semaphore, #tpu.memory_space<semaphore_mem>>)
    %dma_wait3A_784 = arith.constant 0 : i32
    %dma_wait3A_785 = arith.constant 14 : i32
    %dma_wait3A_786 = arith.constant 0 : i32
    %dma_wait3A_787 = arith.constant 0 : i32
    %dma_wait3A_788 = arith.constant 0 : i32
    %dma_wait3A_789 = tpu.memref_slice %arg9[%dma_wait3A_786, %dma_wait3A_787, %dma_wait3A_788] : memref<1x128x128xf32, #tpu.memory_space<vmem>> -> memref<1x128x128xf32, #tpu.memory_space<vmem>>
    %dma_wait3A_790 = tpu.memref_squeeze %dma_wait3A_789 : memref<1x128x128xf32, #tpu.memory_space<vmem>> -> memref<128x128xf32, #tpu.memory_space<vmem>>
    %dma_wait3A_791 = arith.constant 0 : i32
    %dma_wait3A_792 = tpu.memref_slice %arg6[%dma_wait3A_784, %dma_wait3A_785, %dma_wait3A_791] : memref<1x20x128xi32, #tpu.memory_space<vmem>> -> memref<1x1x128xi32, #tpu.memory_space<vmem>>
    %dma_wait3A_793 = tpu.memref_squeeze %dma_wait3A_792 : memref<1x1x128xi32, #tpu.memory_space<vmem>> -> memref<128xi32, #tpu.memory_space<vmem>>
    %dma_wait3A_794 = arith.constant 0 : i32
    %dma_wait3A_795 = arith.constant 0 : i32
    %dma_wait3A_796 = tpu.memref_slice %arg5[%dma_wait3A_794, %dma_wait3A_795] : memref<128x128xf32, #tpu.memory_space<vmem_shared>> -> memref<128x128xf32, #tpu.memory_space<vmem_shared>>
    tpu.wait_indirect_dma semaphore(%arg15 : memref<!tpu.dma_semaphore, #tpu.memory_space<semaphore_mem>>) src(%dma_wait3A_796 : memref<128x128xf32, #tpu.memory_space<vmem_shared>>) dst(%dma_wait3A_790 : memref<128x128xf32, #tpu.memory_space<vmem>>)
    %add3A_797 = arith.constant 14 : i32
    %add3A_798 = arith.addi %mul3A_2, %add3A_797 : i32
    %dma_start3A_799 = arith.constant 0 : i32
    %dma_start3A_800 = arith.constant 0 : i32
    %dma_start3A_801 = arith.constant 0 : i32
    %dma_start3A_802 = tpu.memref_slice %arg9[%dma_start3A_799, %dma_start3A_800, %dma_start3A_801] : memref<1x128x128xf32, #tpu.memory_space<vmem>> -> memref<1x128x128xf32, #tpu.memory_space<vmem>>
    %dma_start3A_803 = arith.constant 0 : i32
    %dma_start3A_804 = arith.constant 0 : i32
    %dma_start3A_805 = tpu.memref_slice %arg4[%add3A_798, %dma_start3A_803, %dma_start3A_804] : memref<640x128x128xf32, #tpu.memory_space<hbm>> -> memref<1x128x128xf32, #tpu.memory_space<hbm>>
    %dma_start3A_806 = arith.constant 0 : i32
    %dma_start3A_807 = arith.constant 0 : i32
    %dma_start3A_808 = tpu.memref_slice %arg4[%add3A_798, %dma_start3A_806, %dma_start3A_807] : memref<640x128x128xf32, #tpu.memory_space<hbm>> -> memref<1x128x128xf32, #tpu.memory_space<hbm>>
    %dma_start3A_809 = arith.constant 0 : i32
    %dma_start3A_810 = arith.constant 0 : i32
    %dma_start3A_811 = arith.constant 0 : i32
    %dma_start3A_812 = tpu.memref_slice %arg9[%dma_start3A_809, %dma_start3A_810, %dma_start3A_811] : memref<1x128x128xf32, #tpu.memory_space<vmem>> -> memref<1x128x128xf32, #tpu.memory_space<vmem>>
    tpu.enqueue_dma source(%dma_start3A_812 : memref<1x128x128xf32, #tpu.memory_space<vmem>>) target(%dma_start3A_808 : memref<1x128x128xf32, #tpu.memory_space<hbm>>) target_semaphore(%arg21 : memref<!tpu.dma_semaphore, #tpu.memory_space<semaphore_mem>>)
    %dma_wait3A_813 = arith.constant 0 : i32
    %dma_wait3A_814 = arith.constant 0 : i32
    %dma_wait3A_815 = arith.constant 0 : i32
    %dma_wait3A_816 = tpu.memref_slice %arg12[%dma_wait3A_813, %dma_wait3A_814, %dma_wait3A_815] : memref<1x128x128xf32, #tpu.memory_space<vmem>> -> memref<1x128x128xf32, #tpu.memory_space<vmem>>
    %dma_wait3A_817 = arith.constant 0 : i32
    %dma_wait3A_818 = arith.constant 0 : i32
    %dma_wait3A_819 = tpu.memref_slice %arg4[%add3A_630, %dma_wait3A_817, %dma_wait3A_818] : memref<640x128x128xf32, #tpu.memory_space<hbm>> -> memref<1x128x128xf32, #tpu.memory_space<hbm>>
    %dma_wait3A_820 = arith.constant 0 : i32
    %dma_wait3A_821 = arith.constant 0 : i32
    %dma_wait3A_822 = tpu.memref_slice %arg4[%add3A_630, %dma_wait3A_820, %dma_wait3A_821] : memref<640x128x128xf32, #tpu.memory_space<hbm>> -> memref<1x128x128xf32, #tpu.memory_space<hbm>>
    %dma_wait3A_823 = arith.constant 0 : i32
    %dma_wait3A_824 = arith.constant 0 : i32
    %dma_wait3A_825 = arith.constant 0 : i32
    %dma_wait3A_826 = tpu.memref_slice %arg12[%dma_wait3A_823, %dma_wait3A_824, %dma_wait3A_825] : memref<1x128x128xf32, #tpu.memory_space<vmem>> -> memref<1x128x128xf32, #tpu.memory_space<vmem>>
    tpu.wait_dma2 semaphore(%arg24 : memref<!tpu.dma_semaphore, #tpu.memory_space<semaphore_mem>>) src(%dma_wait3A_826 : memref<1x128x128xf32, #tpu.memory_space<vmem>>) dst(%dma_wait3A_822 : memref<1x128x128xf32, #tpu.memory_space<hbm>>)
    %dma_start3A_827 = arith.constant 0 : i32
    %dma_start3A_828 = arith.constant 17 : i32
    %dma_start3A_829 = arith.constant 0 : i32
    %dma_start3A_830 = arith.constant 0 : i32
    %dma_start3A_831 = arith.constant 0 : i32
    %dma_start3A_832 = tpu.memref_slice %arg12[%dma_start3A_829, %dma_start3A_830, %dma_start3A_831] : memref<1x128x128xf32, #tpu.memory_space<vmem>> -> memref<1x128x128xf32, #tpu.memory_space<vmem>>
    %dma_start3A_833 = tpu.memref_squeeze %dma_start3A_832 : memref<1x128x128xf32, #tpu.memory_space<vmem>> -> memref<128x128xf32, #tpu.memory_space<vmem>>
    %dma_start3A_834 = arith.constant 0 : i32
    %dma_start3A_835 = tpu.memref_slice %arg6[%dma_start3A_827, %dma_start3A_828, %dma_start3A_834] : memref<1x20x128xi32, #tpu.memory_space<vmem>> -> memref<1x1x128xi32, #tpu.memory_space<vmem>>
    %dma_start3A_836 = tpu.memref_squeeze %dma_start3A_835 : memref<1x1x128xi32, #tpu.memory_space<vmem>> -> memref<128xi32, #tpu.memory_space<vmem>>
    %dma_start3A_837 = arith.constant 0 : i32
    %dma_start3A_838 = arith.constant 0 : i32
    %dma_start3A_839 = tpu.memref_slice %arg5[%dma_start3A_837, %dma_start3A_838] : memref<128x128xf32, #tpu.memory_space<vmem_shared>> -> memref<128x128xf32, #tpu.memory_space<vmem_shared>>
    tpu.enqueue_indirect_dma source(%dma_start3A_839 : memref<128x128xf32, #tpu.memory_space<vmem_shared>>) target(%dma_start3A_833 : memref<128x128xf32, #tpu.memory_space<vmem>>) offsets(%dma_start3A_836 : memref<128xi32, #tpu.memory_space<vmem>>) semaphore(%arg18 : memref<!tpu.dma_semaphore, #tpu.memory_space<semaphore_mem>>)
    %dma_wait3A_840 = arith.constant 0 : i32
    %dma_wait3A_841 = arith.constant 15 : i32
    %dma_wait3A_842 = arith.constant 0 : i32
    %dma_wait3A_843 = arith.constant 0 : i32
    %dma_wait3A_844 = arith.constant 0 : i32
    %dma_wait3A_845 = tpu.memref_slice %arg10[%dma_wait3A_842, %dma_wait3A_843, %dma_wait3A_844] : memref<1x128x128xf32, #tpu.memory_space<vmem>> -> memref<1x128x128xf32, #tpu.memory_space<vmem>>
    %dma_wait3A_846 = tpu.memref_squeeze %dma_wait3A_845 : memref<1x128x128xf32, #tpu.memory_space<vmem>> -> memref<128x128xf32, #tpu.memory_space<vmem>>
    %dma_wait3A_847 = arith.constant 0 : i32
    %dma_wait3A_848 = tpu.memref_slice %arg6[%dma_wait3A_840, %dma_wait3A_841, %dma_wait3A_847] : memref<1x20x128xi32, #tpu.memory_space<vmem>> -> memref<1x1x128xi32, #tpu.memory_space<vmem>>
    %dma_wait3A_849 = tpu.memref_squeeze %dma_wait3A_848 : memref<1x1x128xi32, #tpu.memory_space<vmem>> -> memref<128xi32, #tpu.memory_space<vmem>>
    %dma_wait3A_850 = arith.constant 0 : i32
    %dma_wait3A_851 = arith.constant 0 : i32
    %dma_wait3A_852 = tpu.memref_slice %arg5[%dma_wait3A_850, %dma_wait3A_851] : memref<128x128xf32, #tpu.memory_space<vmem_shared>> -> memref<128x128xf32, #tpu.memory_space<vmem_shared>>
    tpu.wait_indirect_dma semaphore(%arg16 : memref<!tpu.dma_semaphore, #tpu.memory_space<semaphore_mem>>) src(%dma_wait3A_852 : memref<128x128xf32, #tpu.memory_space<vmem_shared>>) dst(%dma_wait3A_846 : memref<128x128xf32, #tpu.memory_space<vmem>>)
    %add3A_853 = arith.constant 15 : i32
    %add3A_854 = arith.addi %mul3A_2, %add3A_853 : i32
    %dma_start3A_855 = arith.constant 0 : i32
    %dma_start3A_856 = arith.constant 0 : i32
    %dma_start3A_857 = arith.constant 0 : i32
    %dma_start3A_858 = tpu.memref_slice %arg10[%dma_start3A_855, %dma_start3A_856, %dma_start3A_857] : memref<1x128x128xf32, #tpu.memory_space<vmem>> -> memref<1x128x128xf32, #tpu.memory_space<vmem>>
    %dma_start3A_859 = arith.constant 0 : i32
    %dma_start3A_860 = arith.constant 0 : i32
    %dma_start3A_861 = tpu.memref_slice %arg4[%add3A_854, %dma_start3A_859, %dma_start3A_860] : memref<640x128x128xf32, #tpu.memory_space<hbm>> -> memref<1x128x128xf32, #tpu.memory_space<hbm>>
    %dma_start3A_862 = arith.constant 0 : i32
    %dma_start3A_863 = arith.constant 0 : i32
    %dma_start3A_864 = tpu.memref_slice %arg4[%add3A_854, %dma_start3A_862, %dma_start3A_863] : memref<640x128x128xf32, #tpu.memory_space<hbm>> -> memref<1x128x128xf32, #tpu.memory_space<hbm>>
    %dma_start3A_865 = arith.constant 0 : i32
    %dma_start3A_866 = arith.constant 0 : i32
    %dma_start3A_867 = arith.constant 0 : i32
    %dma_start3A_868 = tpu.memref_slice %arg10[%dma_start3A_865, %dma_start3A_866, %dma_start3A_867] : memref<1x128x128xf32, #tpu.memory_space<vmem>> -> memref<1x128x128xf32, #tpu.memory_space<vmem>>
    tpu.enqueue_dma source(%dma_start3A_868 : memref<1x128x128xf32, #tpu.memory_space<vmem>>) target(%dma_start3A_864 : memref<1x128x128xf32, #tpu.memory_space<hbm>>) target_semaphore(%arg22 : memref<!tpu.dma_semaphore, #tpu.memory_space<semaphore_mem>>)
    %dma_wait3A_869 = arith.constant 0 : i32
    %dma_wait3A_870 = arith.constant 0 : i32
    %dma_wait3A_871 = arith.constant 0 : i32
    %dma_wait3A_872 = tpu.memref_slice %arg7[%dma_wait3A_869, %dma_wait3A_870, %dma_wait3A_871] : memref<1x128x128xf32, #tpu.memory_space<vmem>> -> memref<1x128x128xf32, #tpu.memory_space<vmem>>
    %dma_wait3A_873 = arith.constant 0 : i32
    %dma_wait3A_874 = arith.constant 0 : i32
    %dma_wait3A_875 = tpu.memref_slice %arg4[%add3A_686, %dma_wait3A_873, %dma_wait3A_874] : memref<640x128x128xf32, #tpu.memory_space<hbm>> -> memref<1x128x128xf32, #tpu.memory_space<hbm>>
    %dma_wait3A_876 = arith.constant 0 : i32
    %dma_wait3A_877 = arith.constant 0 : i32
    %dma_wait3A_878 = tpu.memref_slice %arg4[%add3A_686, %dma_wait3A_876, %dma_wait3A_877] : memref<640x128x128xf32, #tpu.memory_space<hbm>> -> memref<1x128x128xf32, #tpu.memory_space<hbm>>
    %dma_wait3A_879 = arith.constant 0 : i32
    %dma_wait3A_880 = arith.constant 0 : i32
    %dma_wait3A_881 = arith.constant 0 : i32
    %dma_wait3A_882 = tpu.memref_slice %arg7[%dma_wait3A_879, %dma_wait3A_880, %dma_wait3A_881] : memref<1x128x128xf32, #tpu.memory_space<vmem>> -> memref<1x128x128xf32, #tpu.memory_space<vmem>>
    tpu.wait_dma2 semaphore(%arg19 : memref<!tpu.dma_semaphore, #tpu.memory_space<semaphore_mem>>) src(%dma_wait3A_882 : memref<1x128x128xf32, #tpu.memory_space<vmem>>) dst(%dma_wait3A_878 : memref<1x128x128xf32, #tpu.memory_space<hbm>>)
    %dma_start3A_883 = arith.constant 0 : i32
    %dma_start3A_884 = arith.constant 18 : i32
    %dma_start3A_885 = arith.constant 0 : i32
    %dma_start3A_886 = arith.constant 0 : i32
    %dma_start3A_887 = arith.constant 0 : i32
    %dma_start3A_888 = tpu.memref_slice %arg7[%dma_start3A_885, %dma_start3A_886, %dma_start3A_887] : memref<1x128x128xf32, #tpu.memory_space<vmem>> -> memref<1x128x128xf32, #tpu.memory_space<vmem>>
    %dma_start3A_889 = tpu.memref_squeeze %dma_start3A_888 : memref<1x128x128xf32, #tpu.memory_space<vmem>> -> memref<128x128xf32, #tpu.memory_space<vmem>>
    %dma_start3A_890 = arith.constant 0 : i32
    %dma_start3A_891 = tpu.memref_slice %arg6[%dma_start3A_883, %dma_start3A_884, %dma_start3A_890] : memref<1x20x128xi32, #tpu.memory_space<vmem>> -> memref<1x1x128xi32, #tpu.memory_space<vmem>>
    %dma_start3A_892 = tpu.memref_squeeze %dma_start3A_891 : memref<1x1x128xi32, #tpu.memory_space<vmem>> -> memref<128xi32, #tpu.memory_space<vmem>>
    %dma_start3A_893 = arith.constant 0 : i32
    %dma_start3A_894 = arith.constant 0 : i32
    %dma_start3A_895 = tpu.memref_slice %arg5[%dma_start3A_893, %dma_start3A_894] : memref<128x128xf32, #tpu.memory_space<vmem_shared>> -> memref<128x128xf32, #tpu.memory_space<vmem_shared>>
    tpu.enqueue_indirect_dma source(%dma_start3A_895 : memref<128x128xf32, #tpu.memory_space<vmem_shared>>) target(%dma_start3A_889 : memref<128x128xf32, #tpu.memory_space<vmem>>) offsets(%dma_start3A_892 : memref<128xi32, #tpu.memory_space<vmem>>) semaphore(%arg13 : memref<!tpu.dma_semaphore, #tpu.memory_space<semaphore_mem>>)
    %dma_wait3A_896 = arith.constant 0 : i32
    %dma_wait3A_897 = arith.constant 16 : i32
    %dma_wait3A_898 = arith.constant 0 : i32
    %dma_wait3A_899 = arith.constant 0 : i32
    %dma_wait3A_900 = arith.constant 0 : i32
    %dma_wait3A_901 = tpu.memref_slice %arg11[%dma_wait3A_898, %dma_wait3A_899, %dma_wait3A_900] : memref<1x128x128xf32, #tpu.memory_space<vmem>> -> memref<1x128x128xf32, #tpu.memory_space<vmem>>
    %dma_wait3A_902 = tpu.memref_squeeze %dma_wait3A_901 : memref<1x128x128xf32, #tpu.memory_space<vmem>> -> memref<128x128xf32, #tpu.memory_space<vmem>>
    %dma_wait3A_903 = arith.constant 0 : i32
    %dma_wait3A_904 = tpu.memref_slice %arg6[%dma_wait3A_896, %dma_wait3A_897, %dma_wait3A_903] : memref<1x20x128xi32, #tpu.memory_space<vmem>> -> memref<1x1x128xi32, #tpu.memory_space<vmem>>
    %dma_wait3A_905 = tpu.memref_squeeze %dma_wait3A_904 : memref<1x1x128xi32, #tpu.memory_space<vmem>> -> memref<128xi32, #tpu.memory_space<vmem>>
    %dma_wait3A_906 = arith.constant 0 : i32
    %dma_wait3A_907 = arith.constant 0 : i32
    %dma_wait3A_908 = tpu.memref_slice %arg5[%dma_wait3A_906, %dma_wait3A_907] : memref<128x128xf32, #tpu.memory_space<vmem_shared>> -> memref<128x128xf32, #tpu.memory_space<vmem_shared>>
    tpu.wait_indirect_dma semaphore(%arg17 : memref<!tpu.dma_semaphore, #tpu.memory_space<semaphore_mem>>) src(%dma_wait3A_908 : memref<128x128xf32, #tpu.memory_space<vmem_shared>>) dst(%dma_wait3A_902 : memref<128x128xf32, #tpu.memory_space<vmem>>)
    %add3A_909 = arith.constant 16 : i32
    %add3A_910 = arith.addi %mul3A_2, %add3A_909 : i32
    %dma_start3A_911 = arith.constant 0 : i32
    %dma_start3A_912 = arith.constant 0 : i32
    %dma_start3A_913 = arith.constant 0 : i32
    %dma_start3A_914 = tpu.memref_slice %arg11[%dma_start3A_911, %dma_start3A_912, %dma_start3A_913] : memref<1x128x128xf32, #tpu.memory_space<vmem>> -> memref<1x128x128xf32, #tpu.memory_space<vmem>>
    %dma_start3A_915 = arith.constant 0 : i32
    %dma_start3A_916 = arith.constant 0 : i32
    %dma_start3A_917 = tpu.memref_slice %arg4[%add3A_910, %dma_start3A_915, %dma_start3A_916] : memref<640x128x128xf32, #tpu.memory_space<hbm>> -> memref<1x128x128xf32, #tpu.memory_space<hbm>>
    %dma_start3A_918 = arith.constant 0 : i32
    %dma_start3A_919 = arith.constant 0 : i32
    %dma_start3A_920 = tpu.memref_slice %arg4[%add3A_910, %dma_start3A_918, %dma_start3A_919] : memref<640x128x128xf32, #tpu.memory_space<hbm>> -> memref<1x128x128xf32, #tpu.memory_space<hbm>>
    %dma_start3A_921 = arith.constant 0 : i32
    %dma_start3A_922 = arith.constant 0 : i32
    %dma_start3A_923 = arith.constant 0 : i32
    %dma_start3A_924 = tpu.memref_slice %arg11[%dma_start3A_921, %dma_start3A_922, %dma_start3A_923] : memref<1x128x128xf32, #tpu.memory_space<vmem>> -> memref<1x128x128xf32, #tpu.memory_space<vmem>>
    tpu.enqueue_dma source(%dma_start3A_924 : memref<1x128x128xf32, #tpu.memory_space<vmem>>) target(%dma_start3A_920 : memref<1x128x128xf32, #tpu.memory_space<hbm>>) target_semaphore(%arg23 : memref<!tpu.dma_semaphore, #tpu.memory_space<semaphore_mem>>)
    %dma_wait3A_925 = arith.constant 0 : i32
    %dma_wait3A_926 = arith.constant 0 : i32
    %dma_wait3A_927 = arith.constant 0 : i32
    %dma_wait3A_928 = tpu.memref_slice %arg8[%dma_wait3A_925, %dma_wait3A_926, %dma_wait3A_927] : memref<1x128x128xf32, #tpu.memory_space<vmem>> -> memref<1x128x128xf32, #tpu.memory_space<vmem>>
    %dma_wait3A_929 = arith.constant 0 : i32
    %dma_wait3A_930 = arith.constant 0 : i32
    %dma_wait3A_931 = tpu.memref_slice %arg4[%add3A_742, %dma_wait3A_929, %dma_wait3A_930] : memref<640x128x128xf32, #tpu.memory_space<hbm>> -> memref<1x128x128xf32, #tpu.memory_space<hbm>>
    %dma_wait3A_932 = arith.constant 0 : i32
    %dma_wait3A_933 = arith.constant 0 : i32
    %dma_wait3A_934 = tpu.memref_slice %arg4[%add3A_742, %dma_wait3A_932, %dma_wait3A_933] : memref<640x128x128xf32, #tpu.memory_space<hbm>> -> memref<1x128x128xf32, #tpu.memory_space<hbm>>
    %dma_wait3A_935 = arith.constant 0 : i32
    %dma_wait3A_936 = arith.constant 0 : i32
    %dma_wait3A_937 = arith.constant 0 : i32
    %dma_wait3A_938 = tpu.memref_slice %arg8[%dma_wait3A_935, %dma_wait3A_936, %dma_wait3A_937] : memref<1x128x128xf32, #tpu.memory_space<vmem>> -> memref<1x128x128xf32, #tpu.memory_space<vmem>>
    tpu.wait_dma2 semaphore(%arg20 : memref<!tpu.dma_semaphore, #tpu.memory_space<semaphore_mem>>) src(%dma_wait3A_938 : memref<1x128x128xf32, #tpu.memory_space<vmem>>) dst(%dma_wait3A_934 : memref<1x128x128xf32, #tpu.memory_space<hbm>>)
    %dma_start3A_939 = arith.constant 0 : i32
    %dma_start3A_940 = arith.constant 19 : i32
    %dma_start3A_941 = arith.constant 0 : i32
    %dma_start3A_942 = arith.constant 0 : i32
    %dma_start3A_943 = arith.constant 0 : i32
    %dma_start3A_944 = tpu.memref_slice %arg8[%dma_start3A_941, %dma_start3A_942, %dma_start3A_943] : memref<1x128x128xf32, #tpu.memory_space<vmem>> -> memref<1x128x128xf32, #tpu.memory_space<vmem>>
    %dma_start3A_945 = tpu.memref_squeeze %dma_start3A_944 : memref<1x128x128xf32, #tpu.memory_space<vmem>> -> memref<128x128xf32, #tpu.memory_space<vmem>>
    %dma_start3A_946 = arith.constant 0 : i32
    %dma_start3A_947 = tpu.memref_slice %arg6[%dma_start3A_939, %dma_start3A_940, %dma_start3A_946] : memref<1x20x128xi32, #tpu.memory_space<vmem>> -> memref<1x1x128xi32, #tpu.memory_space<vmem>>
    %dma_start3A_948 = tpu.memref_squeeze %dma_start3A_947 : memref<1x1x128xi32, #tpu.memory_space<vmem>> -> memref<128xi32, #tpu.memory_space<vmem>>
    %dma_start3A_949 = arith.constant 0 : i32
    %dma_start3A_950 = arith.constant 0 : i32
    %dma_start3A_951 = tpu.memref_slice %arg5[%dma_start3A_949, %dma_start3A_950] : memref<128x128xf32, #tpu.memory_space<vmem_shared>> -> memref<128x128xf32, #tpu.memory_space<vmem_shared>>
    tpu.enqueue_indirect_dma source(%dma_start3A_951 : memref<128x128xf32, #tpu.memory_space<vmem_shared>>) target(%dma_start3A_945 : memref<128x128xf32, #tpu.memory_space<vmem>>) offsets(%dma_start3A_948 : memref<128xi32, #tpu.memory_space<vmem>>) semaphore(%arg14 : memref<!tpu.dma_semaphore, #tpu.memory_space<semaphore_mem>>)
    %dma_wait3A_952 = arith.constant 0 : i32
    %dma_wait3A_953 = arith.constant 17 : i32
    %dma_wait3A_954 = arith.constant 0 : i32
    %dma_wait3A_955 = arith.constant 0 : i32
    %dma_wait3A_956 = arith.constant 0 : i32
    %dma_wait3A_957 = tpu.memref_slice %arg12[%dma_wait3A_954, %dma_wait3A_955, %dma_wait3A_956] : memref<1x128x128xf32, #tpu.memory_space<vmem>> -> memref<1x128x128xf32, #tpu.memory_space<vmem>>
    %dma_wait3A_958 = tpu.memref_squeeze %dma_wait3A_957 : memref<1x128x128xf32, #tpu.memory_space<vmem>> -> memref<128x128xf32, #tpu.memory_space<vmem>>
    %dma_wait3A_959 = arith.constant 0 : i32
    %dma_wait3A_960 = tpu.memref_slice %arg6[%dma_wait3A_952, %dma_wait3A_953, %dma_wait3A_959] : memref<1x20x128xi32, #tpu.memory_space<vmem>> -> memref<1x1x128xi32, #tpu.memory_space<vmem>>
    %dma_wait3A_961 = tpu.memref_squeeze %dma_wait3A_960 : memref<1x1x128xi32, #tpu.memory_space<vmem>> -> memref<128xi32, #tpu.memory_space<vmem>>
    %dma_wait3A_962 = arith.constant 0 : i32
    %dma_wait3A_963 = arith.constant 0 : i32
    %dma_wait3A_964 = tpu.memref_slice %arg5[%dma_wait3A_962, %dma_wait3A_963] : memref<128x128xf32, #tpu.memory_space<vmem_shared>> -> memref<128x128xf32, #tpu.memory_space<vmem_shared>>
    tpu.wait_indirect_dma semaphore(%arg18 : memref<!tpu.dma_semaphore, #tpu.memory_space<semaphore_mem>>) src(%dma_wait3A_964 : memref<128x128xf32, #tpu.memory_space<vmem_shared>>) dst(%dma_wait3A_958 : memref<128x128xf32, #tpu.memory_space<vmem>>)
    %add3A_965 = arith.constant 17 : i32
    %add3A_966 = arith.addi %mul3A_2, %add3A_965 : i32
    %dma_start3A_967 = arith.constant 0 : i32
    %dma_start3A_968 = arith.constant 0 : i32
    %dma_start3A_969 = arith.constant 0 : i32
    %dma_start3A_970 = tpu.memref_slice %arg12[%dma_start3A_967, %dma_start3A_968, %dma_start3A_969] : memref<1x128x128xf32, #tpu.memory_space<vmem>> -> memref<1x128x128xf32, #tpu.memory_space<vmem>>
    %dma_start3A_971 = arith.constant 0 : i32
    %dma_start3A_972 = arith.constant 0 : i32
    %dma_start3A_973 = tpu.memref_slice %arg4[%add3A_966, %dma_start3A_971, %dma_start3A_972] : memref<640x128x128xf32, #tpu.memory_space<hbm>> -> memref<1x128x128xf32, #tpu.memory_space<hbm>>
    %dma_start3A_974 = arith.constant 0 : i32
    %dma_start3A_975 = arith.constant 0 : i32
    %dma_start3A_976 = tpu.memref_slice %arg4[%add3A_966, %dma_start3A_974, %dma_start3A_975] : memref<640x128x128xf32, #tpu.memory_space<hbm>> -> memref<1x128x128xf32, #tpu.memory_space<hbm>>
    %dma_start3A_977 = arith.constant 0 : i32
    %dma_start3A_978 = arith.constant 0 : i32
    %dma_start3A_979 = arith.constant 0 : i32
    %dma_start3A_980 = tpu.memref_slice %arg12[%dma_start3A_977, %dma_start3A_978, %dma_start3A_979] : memref<1x128x128xf32, #tpu.memory_space<vmem>> -> memref<1x128x128xf32, #tpu.memory_space<vmem>>
    tpu.enqueue_dma source(%dma_start3A_980 : memref<1x128x128xf32, #tpu.memory_space<vmem>>) target(%dma_start3A_976 : memref<1x128x128xf32, #tpu.memory_space<hbm>>) target_semaphore(%arg24 : memref<!tpu.dma_semaphore, #tpu.memory_space<semaphore_mem>>)
    %dma_wait3A_981 = arith.constant 0 : i32
    %dma_wait3A_982 = arith.constant 18 : i32
    %dma_wait3A_983 = arith.constant 0 : i32
    %dma_wait3A_984 = arith.constant 0 : i32
    %dma_wait3A_985 = arith.constant 0 : i32
    %dma_wait3A_986 = tpu.memref_slice %arg7[%dma_wait3A_983, %dma_wait3A_984, %dma_wait3A_985] : memref<1x128x128xf32, #tpu.memory_space<vmem>> -> memref<1x128x128xf32, #tpu.memory_space<vmem>>
    %dma_wait3A_987 = tpu.memref_squeeze %dma_wait3A_986 : memref<1x128x128xf32, #tpu.memory_space<vmem>> -> memref<128x128xf32, #tpu.memory_space<vmem>>
    %dma_wait3A_988 = arith.constant 0 : i32
    %dma_wait3A_989 = tpu.memref_slice %arg6[%dma_wait3A_981, %dma_wait3A_982, %dma_wait3A_988] : memref<1x20x128xi32, #tpu.memory_space<vmem>> -> memref<1x1x128xi32, #tpu.memory_space<vmem>>
    %dma_wait3A_990 = tpu.memref_squeeze %dma_wait3A_989 : memref<1x1x128xi32, #tpu.memory_space<vmem>> -> memref<128xi32, #tpu.memory_space<vmem>>
    %dma_wait3A_991 = arith.constant 0 : i32
    %dma_wait3A_992 = arith.constant 0 : i32
    %dma_wait3A_993 = tpu.memref_slice %arg5[%dma_wait3A_991, %dma_wait3A_992] : memref<128x128xf32, #tpu.memory_space<vmem_shared>> -> memref<128x128xf32, #tpu.memory_space<vmem_shared>>
    tpu.wait_indirect_dma semaphore(%arg13 : memref<!tpu.dma_semaphore, #tpu.memory_space<semaphore_mem>>) src(%dma_wait3A_993 : memref<128x128xf32, #tpu.memory_space<vmem_shared>>) dst(%dma_wait3A_987 : memref<128x128xf32, #tpu.memory_space<vmem>>)
    %add3A_994 = arith.constant 18 : i32
    %add3A_995 = arith.addi %mul3A_2, %add3A_994 : i32
    %dma_start3A_996 = arith.constant 0 : i32
    %dma_start3A_997 = arith.constant 0 : i32
    %dma_start3A_998 = arith.constant 0 : i32
    %dma_start3A_999 = tpu.memref_slice %arg7[%dma_start3A_996, %dma_start3A_997, %dma_start3A_998] : memref<1x128x128xf32, #tpu.memory_space<vmem>> -> memref<1x128x128xf32, #tpu.memory_space<vmem>>
    %dma_start3A_1000 = arith.constant 0 : i32
    %dma_start3A_1001 = arith.constant 0 : i32
    %dma_start3A_1002 = tpu.memref_slice %arg4[%add3A_995, %dma_start3A_1000, %dma_start3A_1001] : memref<640x128x128xf32, #tpu.memory_space<hbm>> -> memref<1x128x128xf32, #tpu.memory_space<hbm>>
    %dma_start3A_1003 = arith.constant 0 : i32
    %dma_start3A_1004 = arith.constant 0 : i32
    %dma_start3A_1005 = tpu.memref_slice %arg4[%add3A_995, %dma_start3A_1003, %dma_start3A_1004] : memref<640x128x128xf32, #tpu.memory_space<hbm>> -> memref<1x128x128xf32, #tpu.memory_space<hbm>>
    %dma_start3A_1006 = arith.constant 0 : i32
    %dma_start3A_1007 = arith.constant 0 : i32
    %dma_start3A_1008 = arith.constant 0 : i32
    %dma_start3A_1009 = tpu.memref_slice %arg7[%dma_start3A_1006, %dma_start3A_1007, %dma_start3A_1008] : memref<1x128x128xf32, #tpu.memory_space<vmem>> -> memref<1x128x128xf32, #tpu.memory_space<vmem>>
    tpu.enqueue_dma source(%dma_start3A_1009 : memref<1x128x128xf32, #tpu.memory_space<vmem>>) target(%dma_start3A_1005 : memref<1x128x128xf32, #tpu.memory_space<hbm>>) target_semaphore(%arg19 : memref<!tpu.dma_semaphore, #tpu.memory_space<semaphore_mem>>)
    %dma_wait3A_1010 = arith.constant 0 : i32
    %dma_wait3A_1011 = arith.constant 19 : i32
    %dma_wait3A_1012 = arith.constant 0 : i32
    %dma_wait3A_1013 = arith.constant 0 : i32
    %dma_wait3A_1014 = arith.constant 0 : i32
    %dma_wait3A_1015 = tpu.memref_slice %arg8[%dma_wait3A_1012, %dma_wait3A_1013, %dma_wait3A_1014] : memref<1x128x128xf32, #tpu.memory_space<vmem>> -> memref<1x128x128xf32, #tpu.memory_space<vmem>>
    %dma_wait3A_1016 = tpu.memref_squeeze %dma_wait3A_1015 : memref<1x128x128xf32, #tpu.memory_space<vmem>> -> memref<128x128xf32, #tpu.memory_space<vmem>>
    %dma_wait3A_1017 = arith.constant 0 : i32
    %dma_wait3A_1018 = tpu.memref_slice %arg6[%dma_wait3A_1010, %dma_wait3A_1011, %dma_wait3A_1017] : memref<1x20x128xi32, #tpu.memory_space<vmem>> -> memref<1x1x128xi32, #tpu.memory_space<vmem>>
    %dma_wait3A_1019 = tpu.memref_squeeze %dma_wait3A_1018 : memref<1x1x128xi32, #tpu.memory_space<vmem>> -> memref<128xi32, #tpu.memory_space<vmem>>
    %dma_wait3A_1020 = arith.constant 0 : i32
    %dma_wait3A_1021 = arith.constant 0 : i32
    %dma_wait3A_1022 = tpu.memref_slice %arg5[%dma_wait3A_1020, %dma_wait3A_1021] : memref<128x128xf32, #tpu.memory_space<vmem_shared>> -> memref<128x128xf32, #tpu.memory_space<vmem_shared>>
    tpu.wait_indirect_dma semaphore(%arg14 : memref<!tpu.dma_semaphore, #tpu.memory_space<semaphore_mem>>) src(%dma_wait3A_1022 : memref<128x128xf32, #tpu.memory_space<vmem_shared>>) dst(%dma_wait3A_1016 : memref<128x128xf32, #tpu.memory_space<vmem>>)
    %add3A_1023 = arith.constant 19 : i32
    %add3A_1024 = arith.addi %mul3A_2, %add3A_1023 : i32
    %dma_start3A_1025 = arith.constant 0 : i32
    %dma_start3A_1026 = arith.constant 0 : i32
    %dma_start3A_1027 = arith.constant 0 : i32
    %dma_start3A_1028 = tpu.memref_slice %arg8[%dma_start3A_1025, %dma_start3A_1026, %dma_start3A_1027] : memref<1x128x128xf32, #tpu.memory_space<vmem>> -> memref<1x128x128xf32, #tpu.memory_space<vmem>>
    %dma_start3A_1029 = arith.constant 0 : i32
    %dma_start3A_1030 = arith.constant 0 : i32
    %dma_start3A_1031 = tpu.memref_slice %arg4[%add3A_1024, %dma_start3A_1029, %dma_start3A_1030] : memref<640x128x128xf32, #tpu.memory_space<hbm>> -> memref<1x128x128xf32, #tpu.memory_space<hbm>>
    %dma_start3A_1032 = arith.constant 0 : i32
    %dma_start3A_1033 = arith.constant 0 : i32
    %dma_start3A_1034 = tpu.memref_slice %arg4[%add3A_1024, %dma_start3A_1032, %dma_start3A_1033] : memref<640x128x128xf32, #tpu.memory_space<hbm>> -> memref<1x128x128xf32, #tpu.memory_space<hbm>>
    %dma_start3A_1035 = arith.constant 0 : i32
    %dma_start3A_1036 = arith.constant 0 : i32
    %dma_start3A_1037 = arith.constant 0 : i32
    %dma_start3A_1038 = tpu.memref_slice %arg8[%dma_start3A_1035, %dma_start3A_1036, %dma_start3A_1037] : memref<1x128x128xf32, #tpu.memory_space<vmem>> -> memref<1x128x128xf32, #tpu.memory_space<vmem>>
    tpu.enqueue_dma source(%dma_start3A_1038 : memref<1x128x128xf32, #tpu.memory_space<vmem>>) target(%dma_start3A_1034 : memref<1x128x128xf32, #tpu.memory_space<hbm>>) target_semaphore(%arg20 : memref<!tpu.dma_semaphore, #tpu.memory_space<semaphore_mem>>)
    %dma_wait3A_1039 = arith.constant 0 : i32
    %dma_wait3A_1040 = arith.constant 0 : i32
    %dma_wait3A_1041 = arith.constant 0 : i32
    %dma_wait3A_1042 = tpu.memref_slice %arg9[%dma_wait3A_1039, %dma_wait3A_1040, %dma_wait3A_1041] : memref<1x128x128xf32, #tpu.memory_space<vmem>> -> memref<1x128x128xf32, #tpu.memory_space<vmem>>
    %dma_wait3A_1043 = arith.constant 0 : i32
    %dma_wait3A_1044 = arith.constant 0 : i32
    %dma_wait3A_1045 = tpu.memref_slice %arg4[%add3A_798, %dma_wait3A_1043, %dma_wait3A_1044] : memref<640x128x128xf32, #tpu.memory_space<hbm>> -> memref<1x128x128xf32, #tpu.memory_space<hbm>>
    %dma_wait3A_1046 = arith.constant 0 : i32
    %dma_wait3A_1047 = arith.constant 0 : i32
    %dma_wait3A_1048 = tpu.memref_slice %arg4[%add3A_798, %dma_wait3A_1046, %dma_wait3A_1047] : memref<640x128x128xf32, #tpu.memory_space<hbm>> -> memref<1x128x128xf32, #tpu.memory_space<hbm>>
    %dma_wait3A_1049 = arith.constant 0 : i32
    %dma_wait3A_1050 = arith.constant 0 : i32
    %dma_wait3A_1051 = arith.constant 0 : i32
    %dma_wait3A_1052 = tpu.memref_slice %arg9[%dma_wait3A_1049, %dma_wait3A_1050, %dma_wait3A_1051] : memref<1x128x128xf32, #tpu.memory_space<vmem>> -> memref<1x128x128xf32, #tpu.memory_space<vmem>>
    tpu.wait_dma2 semaphore(%arg21 : memref<!tpu.dma_semaphore, #tpu.memory_space<semaphore_mem>>) src(%dma_wait3A_1052 : memref<1x128x128xf32, #tpu.memory_space<vmem>>) dst(%dma_wait3A_1048 : memref<1x128x128xf32, #tpu.memory_space<hbm>>)
    %dma_wait3A_1053 = arith.constant 0 : i32
    %dma_wait3A_1054 = arith.constant 0 : i32
    %dma_wait3A_1055 = arith.constant 0 : i32
    %dma_wait3A_1056 = tpu.memref_slice %arg10[%dma_wait3A_1053, %dma_wait3A_1054, %dma_wait3A_1055] : memref<1x128x128xf32, #tpu.memory_space<vmem>> -> memref<1x128x128xf32, #tpu.memory_space<vmem>>
    %dma_wait3A_1057 = arith.constant 0 : i32
    %dma_wait3A_1058 = arith.constant 0 : i32
    %dma_wait3A_1059 = tpu.memref_slice %arg4[%add3A_854, %dma_wait3A_1057, %dma_wait3A_1058] : memref<640x128x128xf32, #tpu.memory_space<hbm>> -> memref<1x128x128xf32, #tpu.memory_space<hbm>>
    %dma_wait3A_1060 = arith.constant 0 : i32
    %dma_wait3A_1061 = arith.constant 0 : i32
    %dma_wait3A_1062 = tpu.memref_slice %arg4[%add3A_854, %dma_wait3A_1060, %dma_wait3A_1061] : memref<640x128x128xf32, #tpu.memory_space<hbm>> -> memref<1x128x128xf32, #tpu.memory_space<hbm>>
    %dma_wait3A_1063 = arith.constant 0 : i32
    %dma_wait3A_1064 = arith.constant 0 : i32
    %dma_wait3A_1065 = arith.constant 0 : i32
    %dma_wait3A_1066 = tpu.memref_slice %arg10[%dma_wait3A_1063, %dma_wait3A_1064, %dma_wait3A_1065] : memref<1x128x128xf32, #tpu.memory_space<vmem>> -> memref<1x128x128xf32, #tpu.memory_space<vmem>>
    tpu.wait_dma2 semaphore(%arg22 : memref<!tpu.dma_semaphore, #tpu.memory_space<semaphore_mem>>) src(%dma_wait3A_1066 : memref<1x128x128xf32, #tpu.memory_space<vmem>>) dst(%dma_wait3A_1062 : memref<1x128x128xf32, #tpu.memory_space<hbm>>)
    %dma_wait3A_1067 = arith.constant 0 : i32
    %dma_wait3A_1068 = arith.constant 0 : i32
    %dma_wait3A_1069 = arith.constant 0 : i32
    %dma_wait3A_1070 = tpu.memref_slice %arg11[%dma_wait3A_1067, %dma_wait3A_1068, %dma_wait3A_1069] : memref<1x128x128xf32, #tpu.memory_space<vmem>> -> memref<1x128x128xf32, #tpu.memory_space<vmem>>
    %dma_wait3A_1071 = arith.constant 0 : i32
    %dma_wait3A_1072 = arith.constant 0 : i32
    %dma_wait3A_1073 = tpu.memref_slice %arg4[%add3A_910, %dma_wait3A_1071, %dma_wait3A_1072] : memref<640x128x128xf32, #tpu.memory_space<hbm>> -> memref<1x128x128xf32, #tpu.memory_space<hbm>>
    %dma_wait3A_1074 = arith.constant 0 : i32
    %dma_wait3A_1075 = arith.constant 0 : i32
    %dma_wait3A_1076 = tpu.memref_slice %arg4[%add3A_910, %dma_wait3A_1074, %dma_wait3A_1075] : memref<640x128x128xf32, #tpu.memory_space<hbm>> -> memref<1x128x128xf32, #tpu.memory_space<hbm>>
    %dma_wait3A_1077 = arith.constant 0 : i32
    %dma_wait3A_1078 = arith.constant 0 : i32
    %dma_wait3A_1079 = arith.constant 0 : i32
    %dma_wait3A_1080 = tpu.memref_slice %arg11[%dma_wait3A_1077, %dma_wait3A_1078, %dma_wait3A_1079] : memref<1x128x128xf32, #tpu.memory_space<vmem>> -> memref<1x128x128xf32, #tpu.memory_space<vmem>>
    tpu.wait_dma2 semaphore(%arg23 : memref<!tpu.dma_semaphore, #tpu.memory_space<semaphore_mem>>) src(%dma_wait3A_1080 : memref<1x128x128xf32, #tpu.memory_space<vmem>>) dst(%dma_wait3A_1076 : memref<1x128x128xf32, #tpu.memory_space<hbm>>)
    %dma_wait3A_1081 = arith.constant 0 : i32
    %dma_wait3A_1082 = arith.constant 0 : i32
    %dma_wait3A_1083 = arith.constant 0 : i32
    %dma_wait3A_1084 = tpu.memref_slice %arg12[%dma_wait3A_1081, %dma_wait3A_1082, %dma_wait3A_1083] : memref<1x128x128xf32, #tpu.memory_space<vmem>> -> memref<1x128x128xf32, #tpu.memory_space<vmem>>
    %dma_wait3A_1085 = arith.constant 0 : i32
    %dma_wait3A_1086 = arith.constant 0 : i32
    %dma_wait3A_1087 = tpu.memref_slice %arg4[%add3A_966, %dma_wait3A_1085, %dma_wait3A_1086] : memref<640x128x128xf32, #tpu.memory_space<hbm>> -> memref<1x128x128xf32, #tpu.memory_space<hbm>>
    %dma_wait3A_1088 = arith.constant 0 : i32
    %dma_wait3A_1089 = arith.constant 0 : i32
    %dma_wait3A_1090 = tpu.memref_slice %arg4[%add3A_966, %dma_wait3A_1088, %dma_wait3A_1089] : memref<640x128x128xf32, #tpu.memory_space<hbm>> -> memref<1x128x128xf32, #tpu.memory_space<hbm>>
    %dma_wait3A_1091 = arith.constant 0 : i32
    %dma_wait3A_1092 = arith.constant 0 : i32
    %dma_wait3A_1093 = arith.constant 0 : i32
    %dma_wait3A_1094 = tpu.memref_slice %arg12[%dma_wait3A_1091, %dma_wait3A_1092, %dma_wait3A_1093] : memref<1x128x128xf32, #tpu.memory_space<vmem>> -> memref<1x128x128xf32, #tpu.memory_space<vmem>>
    tpu.wait_dma2 semaphore(%arg24 : memref<!tpu.dma_semaphore, #tpu.memory_space<semaphore_mem>>) src(%dma_wait3A_1094 : memref<1x128x128xf32, #tpu.memory_space<vmem>>) dst(%dma_wait3A_1090 : memref<1x128x128xf32, #tpu.memory_space<hbm>>)
    %dma_wait3A_1095 = arith.constant 0 : i32
    %dma_wait3A_1096 = arith.constant 0 : i32
    %dma_wait3A_1097 = arith.constant 0 : i32
    %dma_wait3A_1098 = tpu.memref_slice %arg7[%dma_wait3A_1095, %dma_wait3A_1096, %dma_wait3A_1097] : memref<1x128x128xf32, #tpu.memory_space<vmem>> -> memref<1x128x128xf32, #tpu.memory_space<vmem>>
    %dma_wait3A_1099 = arith.constant 0 : i32
    %dma_wait3A_1100 = arith.constant 0 : i32
    %dma_wait3A_1101 = tpu.memref_slice %arg4[%add3A_995, %dma_wait3A_1099, %dma_wait3A_1100] : memref<640x128x128xf32, #tpu.memory_space<hbm>> -> memref<1x128x128xf32, #tpu.memory_space<hbm>>
    %dma_wait3A_1102 = arith.constant 0 : i32
    %dma_wait3A_1103 = arith.constant 0 : i32
    %dma_wait3A_1104 = tpu.memref_slice %arg4[%add3A_995, %dma_wait3A_1102, %dma_wait3A_1103] : memref<640x128x128xf32, #tpu.memory_space<hbm>> -> memref<1x128x128xf32, #tpu.memory_space<hbm>>
    %dma_wait3A_1105 = arith.constant 0 : i32
    %dma_wait3A_1106 = arith.constant 0 : i32
    %dma_wait3A_1107 = arith.constant 0 : i32
    %dma_wait3A_1108 = tpu.memref_slice %arg7[%dma_wait3A_1105, %dma_wait3A_1106, %dma_wait3A_1107] : memref<1x128x128xf32, #tpu.memory_space<vmem>> -> memref<1x128x128xf32, #tpu.memory_space<vmem>>
    tpu.wait_dma2 semaphore(%arg19 : memref<!tpu.dma_semaphore, #tpu.memory_space<semaphore_mem>>) src(%dma_wait3A_1108 : memref<1x128x128xf32, #tpu.memory_space<vmem>>) dst(%dma_wait3A_1104 : memref<1x128x128xf32, #tpu.memory_space<hbm>>)
    %dma_wait3A_1109 = arith.constant 0 : i32
    %dma_wait3A_1110 = arith.constant 0 : i32
    %dma_wait3A_1111 = arith.constant 0 : i32
    %dma_wait3A_1112 = tpu.memref_slice %arg8[%dma_wait3A_1109, %dma_wait3A_1110, %dma_wait3A_1111] : memref<1x128x128xf32, #tpu.memory_space<vmem>> -> memref<1x128x128xf32, #tpu.memory_space<vmem>>
    %dma_wait3A_1113 = arith.constant 0 : i32
    %dma_wait3A_1114 = arith.constant 0 : i32
    %dma_wait3A_1115 = tpu.memref_slice %arg4[%add3A_1024, %dma_wait3A_1113, %dma_wait3A_1114] : memref<640x128x128xf32, #tpu.memory_space<hbm>> -> memref<1x128x128xf32, #tpu.memory_space<hbm>>
    %dma_wait3A_1116 = arith.constant 0 : i32
    %dma_wait3A_1117 = arith.constant 0 : i32
    %dma_wait3A_1118 = tpu.memref_slice %arg4[%add3A_1024, %dma_wait3A_1116, %dma_wait3A_1117] : memref<640x128x128xf32, #tpu.memory_space<hbm>> -> memref<1x128x128xf32, #tpu.memory_space<hbm>>
    %dma_wait3A_1119 = arith.constant 0 : i32
    %dma_wait3A_1120 = arith.constant 0 : i32
    %dma_wait3A_1121 = arith.constant 0 : i32
    %dma_wait3A_1122 = tpu.memref_slice %arg8[%dma_wait3A_1119, %dma_wait3A_1120, %dma_wait3A_1121] : memref<1x128x128xf32, #tpu.memory_space<vmem>> -> memref<1x128x128xf32, #tpu.memory_space<vmem>>
    tpu.wait_dma2 semaphore(%arg20 : memref<!tpu.dma_semaphore, #tpu.memory_space<semaphore_mem>>) src(%dma_wait3A_1122 : memref<1x128x128xf32, #tpu.memory_space<vmem>>) dst(%dma_wait3A_1118 : memref<1x128x128xf32, #tpu.memory_space<hbm>>)
    return
  }
}

</mosaic_0001>

<sc_bundles>
// kernel: kernel.3.cloned.1.call-start
scs
__scs_entry_jumppad:
0x0: {  	(pc) =	sbr.rel $0x88, $3  }
0x1: {  	(tag) =	ssettag $0x0;
	lr =	simm.s32 $0x1  }
0x2: {  	[smem:$0x3F9F] =	sst lr;
	_ =	strace $0xD0000000  }
0x3: {  	_ = 	snop  }
0x4: {  	_ = 	snop  }
0x5: {  	_ = 	snop  }
0x6: {  	_ = 	snop  }
0x7: {  	_ = 	snop  }
__scs_overlays_trampoline_lowered:
0x8: {  	[smem:$0x3FAE] =	sst s0  }
0x9: {  	[smem:$0x3FAF] =	sst s1  }
0xa: {  	[smem:$0x3FB0] =	sst s2  }
0xb: {  	[smem:$0x3FB1] =	sst s3  }
0xc: {  	[smem:$0x3FB2] =	sst s4  }
0xd: {  	[smem:$0x3FB3] =	sst s5  }
0xe: {  	[smem:$0x3FB4] =	sst s6  }
0xf: {  	[smem:$0x3FB5] =	sst s7  }
0x10: {  	[smem:$0x3FB6] =	sst s8  }
0x11: {  	[smem:$0x3FB7] =	sst s9;
	s0 =	simm.s32 @!p0 $0x0  }
0x12: {  	s1 =	sld [smem:$0x3F9D];
	s0 =	simm.s32 @p0 $0x1  }
0x13: {  	[smem:$0x3FB8] =	sst s0;
	s0 =	simm.s32 @!p1 $0x0  }
0x14: {  	s2 =	sld [smem:$0x3F9C];
	s0 =	simm.s32 @p1 $0x1  }
0x15: {  	[smem:$0x3FB9] =	sst s0;
	s0 =	simm.s32 @!p2 $0x0  }
0x16: {  	s3 =	sld [smem:$0x3FDB];
	s0 =	simm.s32 @p2 $0x1  }
0x17: {  	s4 =	simm.s32 $0x1BF5;
	[smem:$0x3FBB] =	sst s0  }
0x18: {  	s0 =	sld [smem:$0x3F9E];
	_ =	swait.ge [sflag:s4], $0x0  }
0x19: {  	s7 =	sld [smem:$0x3F9F]  }
0x1a: {  	s8 =	sadd.s32 $0xFFFFE003, lr  }
0x1b: {  	s9 =	sadd.s32 $0xFFFFFEF7, lr;
	s5 =	simm.s32 $0xFFFFFFFF;
	p2 =	slt.u32 s8, $0xFFFFF086  }
0x1c: {  	p1 =	slt.u32 s9, $0xF7A;
	s5 =	simm.s32 @!p2 $0x0  }
0x1d: {  	s5 =	simm.s32 @p1 $0x1;
	p0 =	seq.s32 s7, s2  }
0x1e: {  	s7 =	smul.u32 @!p0 $0xF7A, s2;
	p2 =	seq.s32 @!p0 s5, $0x0  }
0x1f: {  	s9 =	smul.u32 $0xF7A, s1;
	s8 =	simm.s32 @!p0 $0x1BF5;
	p2 =	por !p2, p0  }
0x20: {  	[sflag:s8] =	ssyncset.s32 @!p0 $0xFFFFF086;
	s6 =	sadd.s32 @!p0 s3, s7;
	s7 =	simm.s32 @!p0 $0x108  }
0x21: {  	s3 =	sadd.s32 s3, s9;
	s6 =	sadd.s32 @!p0 $0x88, s6;
	s7 =	simm.s32 @p2 $0x1082  }
0x22: {  	[simem:s7], [sflag:s8] =	dma.local @!p0 [hbm:s6], $0xF7A  }
0x23: {  	s9 =	sor.u32 $0xD0000000, s2;
	s6 =	simm.s32 $0x108;
	_ =	swait.ge @!p0 [sflag:s8], $0x0  }
0x24: {  	s3 =	sadd.s32 $0x88, s3;
	s6 =	simm.s32 @!p1 $0x1082;
	[sflag:s4] =	ssyncset.s32 $0xFFFFF086  }
0x25: {  	[simem:s6], [sflag:s4] =	dma.local [hbm:s3], $0xF7A  }
0x26: {  	[smem:$0x3F9F] =	sst s1;
	(tag) =	ssettag s2;
	_ =	strace s9  }
0x27: {  	s1 =	sld [smem:$0x3FAF]  }
0x28: {  	s2 =	sld [smem:$0x3FB0]  }
0x29: {  	s4 =	sld [smem:$0x3FB2]  }
0x2a: {  	p0 =	seq.s32 s5, $0x0;
	s5 =	sld [smem:$0x3FB3]  }
0x2b: {  	s6 =	sld [smem:$0x3FB4]  }
0x2c: {  	s7 =	sld [smem:$0x3FB5]  }
0x2d: {  	s3 =	simm.s32 $0x108;
	s8 =	sld [smem:$0x3FB6]  }
0x2e: {  	s3 =	simm.s32 @!p0 $0x1082;
	s9 =	sld [smem:$0x3FB7]  }
0x2f: {  	lr =	sadd.s32 s0, s3;
	s0 =	sld [smem:$0x3FAE]  }
0x30: {  	s3 =	sld [smem:$0x3FB1]  }
0x31: {  	[smem:$0x3FBA] =	sst s10  }
0x32: {  	s10 =	sld [smem:$0x3FB8];
	_ =	sdelay $0x3  }
0x33: {  	p0 =	seq.s32 s10, $0x1;
	s10 =	sld [smem:$0x3FBA];
	_ =	sdelay $0x3  }
0x34: {  	[smem:$0x3FBA] =	sst s10  }
0x35: {  	s10 =	sld [smem:$0x3FB9];
	_ =	sdelay $0x3  }
0x36: {  	p1 =	seq.s32 s10, $0x1;
	s10 =	sld [smem:$0x3FBA];
	_ =	sdelay $0x3  }
0x37: {  	[smem:$0x3FBA] =	sst s10  }
0x38: {  	s10 =	sld [smem:$0x3FBB]  }
0x39: {  	_ = 	snop;
	(pc) =	sbr.ind lr, $3  }
0x3a: {  	_ = 	snop  }
0x3b: {  	_ = 	snop  }
0x3c: {  	p2 =	seq.s32 s10, $0x1;
	s10 =	sld [smem:$0x3FBA]  }
0x3d: {  	_ =	shalt  }
0x3e: {  	_ =	shalt  }
0x3f: {  	_ =	shalt  }
0x40: {  	_ =	shalt  }
0x41: {  	_ =	shalt  }
0x42: {  	_ =	shalt  }
0x43: {  	_ =	shalt  }
0x44: {  	_ =	shalt  }
0x45: {  	_ =	shalt  }
0x46: {  	_ =	shalt  }
0x47: {  	_ =	shalt  }
0x48: {  	_ =	shalt  }
0x49: {  	_ =	shalt  }
0x4a: {  	_ =	shalt  }
0x4b: {  	_ =	shalt  }
0x4c: {  	_ =	shalt  }
0x4d: {  	_ =	shalt  }
0x4e: {  	_ =	shalt  }
0x4f: {  	_ =	shalt  }
0x50: {  	_ =	shalt  }
0x51: {  	_ =	shalt  }
0x52: {  	_ =	shalt  }
0x53: {  	_ =	shalt  }
0x54: {  	_ =	shalt  }
0x55: {  	_ =	shalt  }
0x56: {  	_ =	shalt  }
0x57: {  	_ =	shalt  }
0x58: {  	_ =	shalt  }
0x59: {  	_ =	shalt  }
0x5a: {  	_ =	shalt  }
0x5b: {  	_ =	shalt  }
0x5c: {  	_ =	shalt  }
0x5d: {  	_ =	shalt  }
0x5e: {  	_ =	shalt  }
0x5f: {  	_ =	shalt  }
0x60: {  	_ =	shalt  }
0x61: {  	_ =	shalt  }
0x62: {  	_ =	shalt  }
0x63: {  	_ =	shalt  }
0x64: {  	_ =	shalt  }
0x65: {  	_ =	shalt  }
0x66: {  	_ =	shalt  }
0x67: {  	_ =	shalt  }
0x68: {  	_ =	shalt  }
0x69: {  	_ =	shalt  }
0x6a: {  	_ =	shalt  }
0x6b: {  	_ =	shalt  }
0x6c: {  	_ =	shalt  }
0x6d: {  	_ =	shalt  }
0x6e: {  	_ =	shalt  }
0x6f: {  	_ =	shalt  }
0x70: {  	_ =	shalt  }
0x71: {  	_ =	shalt  }
0x72: {  	_ =	shalt  }
0x73: {  	_ =	shalt  }
0x74: {  	_ =	shalt  }
0x75: {  	_ =	shalt  }
0x76: {  	_ =	shalt  }
0x77: {  	_ =	shalt  }
0x78: {  	_ =	shalt  }
0x79: {  	_ =	shalt  }
0x7a: {  	_ =	shalt  }
0x7b: {  	_ =	shalt  }
0x7c: {  	_ =	shalt  }
0x7d: {  	_ =	shalt  }
0x7e: {  	_ =	shalt  }
0x7f: {  	_ =	shalt  }
0x80: {  	_ =	shalt  }
0x81: {  	_ =	shalt  }
0x82: {  	_ =	shalt  }
0x83: {  	_ =	shalt  }
0x84: {  	_ =	shalt  }
0x85: {  	_ =	shalt  }
0x86: {  	_ =	shalt  }
0x87: {  	_ =	shalt  }
.Lfunc_end0:
.L_simem_size_0:
called_computation.1_lowered:
.L_overlay_start_0:
0x88: {  	s2 =	sld [smem:$0x3FD9]  }
0x89: {  	s3 =	sld [smem:$0x3FFE];
	_ =	sdelay $0x1  }
0x8a: {  	s1 =	srdreg.scid  }
0x8b: {  	s0 =	sand.u32 $0x1, s1  }
0x8c: {  	s17 =	sshll.u32 s0, $0xA;
	s2 =	sadd.s32 s3, s2  }
0x8d: {  	s2 =	sadd.s32 s2, s17  }
0x8e: {  	[smem:$0x3FC6] =	sst s2  }
0x8f: {  	_ = 	snop  }
0x90: {  	s2 =	sld [smem:$0x3FD0];
	(tm) =	ssettm $0x1  }
0x91: {  	s18 =	sld [smem:$0x3FFB];
	_ =	sdelay $0x3  }
0x92: {  	_ =	strace s18  }
0x93: {  	s3 =	sld [smem:$0x3FFC];
	_ =	sdelay $0x3  }
0x94: {  	_ =	strace s3  }
0x95: {  	s3 =	sld [smem:$0x3FFD];
	_ =	sdelay $0x3  }
0x96: {  	_ =	strace s3  }
0x97: {  	_ =	strace $0x8FFFFFFF  }
0x98: {  	s19 =	sld [smem:$0x3FDB];
	_ =	sdelay $0x1  }
0x99: {  	s4 =	simm.s32 $_scs_section_size  }
0x9a: {  	s5 =	simm.s32 $_size__tile_overlayer_lowered;
	s6 =	simm.s32 $_tile_overlayer_lowered  }
0x9b: {  	s22 =	simm.s32 $0x1BFF;
	s21 =	sshll.u32 s6, $0x1;
	s3 =	sadd.s32 s4, s19  }
0x9c: {  	s7 =	simm.s32 $0x0;
	s20 =	sshll.u32 s5, $0x1;
	s5 =	sadd.s32 s21, s3  }
0x9d: {  	[timem:s7], [sflag:s22] =	dma.local [hbm:s5], s20  }
0x9e: {  	_ =	swait.ge [sflag:s22], s20  }
0x9f: {  	s4 =	ssub.s32 $0x0, s20;
	[sflag:s22] =	ssyncset.done $0x0  }
0xa0: {  	[sflag:s22] =	ssyncadd.s32 s4;
	_ =	sdelay $0x1  }
0xa1: {  	s23 =	simm.s32 $0x1B8B  }
0xa2: {  	_ =	swait.ge [sflag:s23], $0x1  }
0xa3: {  	[sflag:s23] =	ssyncset.done $0x0  }
0xa4: {  	s25 =	simm.s32 $0x1B8E;
	s24 =	sld [smem:$0x3FFE];
	[sflag:s23] =	ssyncadd.s32 $0xFFFFFFFF  }
0xa5: {  	s26 =	simm.s32 $execute0_lowered;
	[smem:$0x3FD2] =	sst s25  }
0xa6: {  	s5 =	sshll.u32 s26, $0x1;
	_ =	strace $0x80000046;
	[dreg:$0x1] =	wrdreg $0xFFFFFFFF  }
0xa7: {  	s28 =	simm.s32 $_size_execute0_lowered;
	s3 =	sadd.s32 s3, s5;
	[dreg:$0x0] =	wrdreg $0x0  }
0xa8: {  	s5 =	sshll.u32 s28, $0x1;
	[dreg:$0x2] =	wrdreg s3  }
0xa9: {  	[dreg:$0x3] =	wrdreg s5  }
0xaa: {  	[dreg:$0x4] =	wrdreg $0xC0  }
0xab: {  	_ =	task [dreg:s7], $0x5FFFF  }
0xac: {  	[dreg:$0x1] =	wrdreg $0xFFFFFFFF  }
0xad: {  	[dreg:$0x0] =	wrdreg $0x60  }
0xae: {  	[dreg:$0x2] =	wrdreg s24  }
0xaf: {  	[dreg:$0x3] =	wrdreg s2  }
0xb0: {  	[dreg:$0x4] =	wrdreg $0x0  }
0xb1: {  	[dreg:$0x5] =	wrdreg $0x9  }
0xb2: {  	_ =	task.clear_ibuf [dreg:s7], $0x6FFFF;
	_ =	strace $0x90000046  }
0xb3: {  	s29 =	simm.s32 $0x9;
	_ =	strace $0x80000048  }
0xb4: {  	_ =	swait.ge [sflag:s29], $0x1  }
0xb5: {  	[sflag:s29] =	ssyncadd.s32 $0xFFFFFFFF  }
0xb6: {  	_ =	strace $0x90000048  }
0xb7: {  	_ =	sfence  }
0xb8: {  	s30 =	sld [smem:$0x0];
	_ =	sdelay $0x2  }
0xb9: {  	s31 =	sshll.u32 s1, $0xD;
	s1 =	sshrl.u32 s1, $0x2  }
0xba: {  	s3 =	sand.u32 $0x4000, s31;
	s1 =	sadd.s32 s1, s30  }
0xbb: {  	s0 =	sor.u32 s3, s0;
	s1 =	sshll.u32 s1, $0x11  }
0xbc: {  	s0 =	sor.u32 s1, s0  }
0xbd: {  	s0 =	sadd.s32 $0x8F2B, s0  }
0xbe: {  	[sflag:s0] =	ssyncadd.remote.s32 $0x1  }
0xbf: {  	_ =	sfence.sel $0xFFFF  }
0xc0: {  	[dreg:$0x0] =	wrdreg $0xFFFFFFFF;
	(pc) =	sbr.abs _section_cstart, $3  }
0xc1: {  	[dreg:$0x1] =	wrdreg $0xFFFFFFFF  }
0xc2: {  	_ =	task.clear_ibuf [dreg:s7], $0x2FFFF;
	_ =	strace $0x9FFFFFFF  }
0xc3: {  	(tm) =	ssettm $0x7FFFFFFF  }
tec
execute0_lowered:
.L_overlay_start_1:
0x0: {  	(tag) =	ssettag $0x1  }
0x1: {  	s0 =	rddreg [dreg:$0x0]  }
0x2: {  	s3 =	rddreg [dreg:$0x1]  }
0x3: {  	s1 =	srdreg.scid;
	s2 =	rddreg [dreg:$0x2]  }
0x4: {  	s4 =	stileid.u32;
	s29 =	rddreg [dreg:$0x3]  }
0x5: {  	s5 =	sand.u32 $0x1, s1;
	s6 =	sshll.u32 s4, $0x1;
	s1 =	simm.s32 $0x0  }
0x6: {  	s8 =	sadd.s32 $0x800, s0;
	s6 =	sor.u32 s5, s6;
	[smem:$0x7FF] =	sst s1  }
0x7: {  	s5 =	ssub.s32 $0x2, s5;
	s7 =	smul.u32 $0x180, s6;
	_ =	strace $0x80000047  }
0x8: {  	s9 =	smul.u32 $0xA000, s6;
	[dreg:$0x4] =	wrdreg s8;
	s31 =	sshrl.u32 s5, $0x1  }
0x9: {  	s5 =	ssub.s32 s5, s31;
	s31 =	simm.s32 $0xC80;
	s0 =	sadd.s32 s7, s0  }
0xa: {  	s24 =	sadd.s32 s3, s9;
	s9 =	simm.s32 $0x480;
	[smem:$0x7FD] =	sst s31  }
0xb: {  	s6 =	smul.u32 $0x50000, s6;
	s0 =	sadd.s32 $0x1000, s0;
	[dreg:$0x19] =	wrdreg s9  }
0xc: {  	s10 =	sadd.s32 $0x800, s24;
	[dreg:$0x5] =	wrdreg s0  }
0xd: {  	s6 =	sshrl.u32 s6, $0x3;
	s11 =	sadd.s32 $0x1000, s24;
	[dreg:$0x6] =	wrdreg s10  }
0xe: {  	s12 =	sadd.s32 $0x1800, s24;
	s3 =	sadd.s32 s3, s6;
	[dreg:$0x7] =	wrdreg s11  }
0xf: {  	[dreg:$0x8] =	wrdreg s12;
	s13 =	sadd.s32 $0x2000, s3  }
0x10: {  	s14 =	sadd.s32 $0x2800, s3;
	[dreg:$0x9] =	wrdreg s13  }
0x11: {  	s15 =	sadd.s32 $0x3000, s3;
	[dreg:$0xa] =	wrdreg s14  }
0x12: {  	s16 =	sadd.s32 $0x3800, s3;
	[dreg:$0xb] =	wrdreg s15  }
0x13: {  	s17 =	sadd.s32 $0x4000, s3;
	[dreg:$0xc] =	wrdreg s16  }
0x14: {  	s18 =	sadd.s32 $0x4800, s3;
	[dreg:$0xd] =	wrdreg s17  }
0x15: {  	p1 =	por $0x0, $0x0;
	s19 =	sadd.s32 $0x5000, s3;
	[dreg:$0xe] =	wrdreg s18  }
0x16: {  	p0 =	sne.s32 s4, $0x0;
	s20 =	sadd.s32 $0x5800, s3;
	[dreg:$0xf] =	wrdreg s19  }
0x17: {  	s4 =	simm.s32 $0x1000;
	s21 =	sadd.s32 $0x6000, s3;
	[dreg:$0x10] =	wrdreg s20  }
0x18: {  	s28 =	sshrl.u32 @!p0 s2, $0x3;
	s22 =	sadd.s32 $0x6800, s3;
	[dreg:$0x11] =	wrdreg s21  }
0x19: {  	s6 =	simm.s32 $0x1;
	s23 =	sadd.s32 $0x7000, s3;
	[dreg:$0x12] =	wrdreg s22  }
0x1a: {  	s9 =	simm.s32 $0x8;
	s25 =	sadd.s32 $0x7800, s3;
	[dreg:$0x13] =	wrdreg s23  }
0x1b: {  	s26 =	sadd.s32 $0x8000, s3;
	s30 =	sadd.s32 $0x8800, s3;
	[dreg:$0x14] =	wrdreg s25  }
0x1c: {  	s7 =	sadd.s32 $0x9000, s3;
	s8 =	sadd.s32 $0x9800, s3;
	[dreg:$0x15] =	wrdreg s26  }
0x1d: {  	s0 =	smax.u32 s5, $0x1;
	s5 =	simm.s32 $0x80;
	[dreg:$0x16] =	wrdreg s30  }
0x1e: {  	s3 =	simm.s32 $0x5000;
	s10 =	simm.s32 $0x500;
	[dreg:$0x17] =	wrdreg s7  }
0x1f: {  	s11 =	simm.s32 $0x580;
	s12 =	simm.s32 $0x600;
	[dreg:$0x18] =	wrdreg s8  }
0x20: {  	s25 =	simm.s32 $0x400;
	s26 =	simm.s32 $0xD;
	[dreg:$0x1a] =	wrdreg s10  }
0x21: {  	s17 =	simm.s32 $0x9000;
	[dreg:$0x1b] =	wrdreg s11;
	s15 =	simm.s32 $0xD000  }
0x22: {  	[dreg:$0x1c] =	wrdreg s12;
	s13 =	simm.s32 $0x680;
	s8 =	simm.s32 $0x2  }
0x23: {  	s14 =	simm.s32 $0x700;
	s11 =	simm.s32 $0x11000;
	[dreg:$0x1d] =	wrdreg s13  }
0x24: {  	s16 =	simm.s32 $0x780;
	s21 =	simm.s32 $0x3;
	[dreg:$0x1e] =	wrdreg s14  }
0x25: {  	s18 =	simm.s32 $0x800;
	s10 =	simm.s32 $0x15000;
	[dreg:$0x1f] =	wrdreg s16  }
0x26: {  	s19 =	simm.s32 $0x880;
	s20 =	simm.s32 $0x4;
	[smem:$0x7F4] =	sst s18  }
0x27: {  	s22 =	simm.s32 $0x900;
	s7 =	simm.s32 $0x7;
	[smem:$0x7F5] =	sst s19  }
0x28: {  	s23 =	simm.s32 $0x980;
	s12 =	simm.s32 $0xA00;
	[smem:$0x7F6] =	sst s22  }
0x29: {  	s30 =	simm.s32 $0xA80;
	[smem:$0x7F7] =	sst s23;
	s22 =	sadd.s32 $0xFFFFFFFF, s0  }
0x2a: {  	s19 =	simm.s32 $0x5;
	[smem:$0x7F8] =	sst s12;
	p2 =	sne.s32 s22, $0x0  }
.Ltmp0:
0x2b: {  	s18 =	simm.s32 $0x6;
	[smem:$0x7F9] =	sst s30;
	(pc) =	sbr.rel @!p2 .LBB2_1-.Ltmp0, $4  }
0x2c: {  	s13 =	simm.s32 $0xB00;
	s12 =	simm.s32 $0x9;
	s0 =	rddreg [dreg:$0x4]  }
0x2d: {  	s14 =	simm.s32 $0xB80;
	s16 =	simm.s32 $0xC00;
	[smem:$0x7FA] =	sst s13  }
0x2e: {  	s23 =	simm.s32 $0xD00;
	s13 =	simm.s32 $0xA;
	[smem:$0x7FB] =	sst s14  }
0x2f: {  	s14 =	simm.s32 $0xB;
	[smem:$0x7FC] =	sst s16;
	s16 =	simm.s32 $0xC  }
0x30: {  	s29 =	simm.s32 @!p0 $0x1C0D;
	s30 =	simm.s32 @!p0 $0xD  }
0x31: {  	[spmem:s28], [sflag:s29] =	dma.local @!p0 [hbm:s0], $0x800  }
0x32: {  	_ =	swait.ge @!p0 [sflag:s30], $0x800  }
0x33: {  	[sflag:s30] =	ssyncset.done @!p0 $0x0  }
0x34: {  	s0 =	rddreg [dreg:$0x5];
	[sflag:s30] =	ssyncadd.s32 @!p0 $0xFFFFF800  }
0x35: {  	[tilespmem:s25], [sflag:$0xD] =	stream.linear.gather [hbm4b:s0+s1], $0xA00, $0x38;
	[tilespmem:$0x19000] =	vst v63  }
0x36: {  	_ =	swait.ge [sflag:s26], $0xA00  }
0x37: {  	[sflag:s26] =	ssyncset.done $0x0  }
0x38: {  	[sflag:s26] =	ssyncadd.s32 $0xFFFFF600  }
0x39: {  	[bflag:$0x0] =	sbarrier.arrive $0xFFFF  }
0x3a: {  	[tilespmem:s4], [sflag:$0x1] =	stream.indirect.gather [spmem:s2], $0x80, s25, s5, $0xb8;
	[tilespmem:$0x19000] =	vst v63  }
0x3b: {  	s0 =	rddreg [dreg:$0x19]  }
0x3c: {  	[tilespmem:s3], [sflag:$0x2] =	stream.indirect.gather [spmem:s2], $0x80, s0, s5, $0xb8;
	[tilespmem:$0x19000] =	vst v63  }
0x3d: {  	s31 =	rddreg [dreg:$0x1a]  }
0x3e: {  	[tilespmem:s17], [sflag:$0x3] =	stream.indirect.gather [spmem:s2], $0x80, s31, s5, $0xb8;
	[tilespmem:$0x19000] =	vst v63  }
0x3f: {  	_ =	swait.ge [sflag:s6], $0x4000  }
0x40: {  	[sflag:s6] =	ssyncset.done $0x0  }
0x41: {  	[sflag:s6] =	ssyncadd.s32 $0xFFFFC000  }
0x42: {  	[hbm4b:s24+s1] =	stream.linear.scatter [tilespmem:s4], [sflag:$0x7], $0x4000, $0x38;
	[tilespmem:$0x19000] =	vst v63  }
0x43: {  	s0 =	rddreg [dreg:$0x1b]  }
0x44: {  	[tilespmem:s15], [sflag:$0x4] =	stream.indirect.gather [spmem:s2], $0x80, s0, s5, $0xb8;
	[tilespmem:$0x19000] =	vst v63  }
0x45: {  	_ =	swait.ge [sflag:s8], $0x4000  }
0x46: {  	[sflag:s8] =	ssyncset.done $0x0  }
0x47: {  	s0 =	rddreg [dreg:$0x6];
	[sflag:s8] =	ssyncadd.s32 $0xFFFFC000  }
0x48: {  	[hbm4b:s0+s1] =	stream.linear.scatter [tilespmem:s3], [sflag:$0x8], $0x4000, $0x38;
	[tilespmem:$0x19000] =	vst v63  }
0x49: {  	s31 =	rddreg [dreg:$0x1c]  }
0x4a: {  	[tilespmem:s11], [sflag:$0x5] =	stream.indirect.gather [spmem:s2], $0x80, s31, s5, $0xb8;
	[tilespmem:$0x19000] =	vst v63  }
0x4b: {  	_ =	swait.ge [sflag:s21], $0x4000  }
0x4c: {  	[sflag:s21] =	ssyncset.done $0x0  }
0x4d: {  	s0 =	rddreg [dreg:$0x7];
	[sflag:s21] =	ssyncadd.s32 $0xFFFFC000  }
0x4e: {  	[hbm4b:s0+s1] =	stream.linear.scatter [tilespmem:s17], [sflag:$0x9], $0x4000, $0x38;
	[tilespmem:$0x19000] =	vst v63  }
0x4f: {  	s31 =	rddreg [dreg:$0x1d]  }
0x50: {  	[tilespmem:s10], [sflag:$0x6] =	stream.indirect.gather [spmem:s2], $0x80, s31, s5, $0xb8;
	[tilespmem:$0x19000] =	vst v63  }
0x51: {  	_ =	swait.ge [sflag:s20], $0x4000  }
0x52: {  	[sflag:s20] =	ssyncset.done $0x0  }
0x53: {  	s0 =	rddreg [dreg:$0x8];
	[sflag:s20] =	ssyncadd.s32 $0xFFFFC000  }
0x54: {  	[hbm4b:s0+s1] =	stream.linear.scatter [tilespmem:s15], [sflag:$0xA], $0x4000, $0x38;
	[tilespmem:$0x19000] =	vst v63  }
0x55: {  	_ =	swait.ge [sflag:s7], $0x4000  }
0x56: {  	[sflag:s7] =	ssyncset.done $0x0  }
0x57: {  	s0 =	rddreg [dreg:$0x1e];
	[sflag:s7] =	ssyncadd.s32 $0xFFFFC000  }
0x58: {  	[tilespmem:s4], [sflag:$0x1] =	stream.indirect.gather [spmem:s2], $0x80, s0, s5, $0xb8;
	[tilespmem:$0x19000] =	vst v63  }
0x59: {  	_ =	swait.ge [sflag:s19], $0x4000  }
0x5a: {  	[sflag:s19] =	ssyncset.done $0x0  }
0x5b: {  	s0 =	rddreg [dreg:$0x9];
	[sflag:s19] =	ssyncadd.s32 $0xFFFFC000  }
0x5c: {  	[hbm4b:s0+s1] =	stream.linear.scatter [tilespmem:s11], [sflag:$0xB], $0x4000, $0x38;
	[tilespmem:$0x19000] =	vst v63  }
0x5d: {  	_ =	swait.ge [sflag:s9], $0x4000  }
0x5e: {  	[sflag:s9] =	ssyncset.done $0x0  }
0x5f: {  	s0 =	rddreg [dreg:$0x1f];
	[sflag:s9] =	ssyncadd.s32 $0xFFFFC000  }
0x60: {  	[tilespmem:s3], [sflag:$0x2] =	stream.indirect.gather [spmem:s2], $0x80, s0, s5, $0xb8;
	[tilespmem:$0x19000] =	vst v63  }
0x61: {  	_ =	swait.ge [sflag:s18], $0x4000  }
0x62: {  	[sflag:s18] =	ssyncset.done $0x0  }
0x63: {  	s0 =	rddreg [dreg:$0xa];
	[sflag:s18] =	ssyncadd.s32 $0xFFFFC000  }
0x64: {  	[hbm4b:s0+s1] =	stream.linear.scatter [tilespmem:s10], [sflag:$0xC], $0x4000, $0x38;
	[tilespmem:$0x19000] =	vst v63  }
0x65: {  	_ =	swait.ge [sflag:s12], $0x4000  }
0x66: {  	s0 =	sld [smem:$0x7F4]  }
0x67: {  	[sflag:s12] =	ssyncset.done $0x0  }
0x68: {  	[sflag:s12] =	ssyncadd.s32 $0xFFFFC000  }
0x69: {  	[tilespmem:s17], [sflag:$0x3] =	stream.indirect.gather [spmem:s2], $0x80, s0, s5, $0xb8;
	[tilespmem:$0x19000] =	vst v63  }
0x6a: {  	_ =	swait.ge [sflag:s6], $0x4000  }
0x6b: {  	[sflag:s6] =	ssyncset.done $0x0  }
0x6c: {  	s0 =	rddreg [dreg:$0xb];
	[sflag:s6] =	ssyncadd.s32 $0xFFFFC000  }
0x6d: {  	[hbm4b:s0+s1] =	stream.linear.scatter [tilespmem:s4], [sflag:$0x7], $0x4000, $0x38;
	[tilespmem:$0x19000] =	vst v63  }
0x6e: {  	_ =	swait.ge [sflag:s13], $0x4000  }
0x6f: {  	s0 =	sld [smem:$0x7F5]  }
0x70: {  	[sflag:s13] =	ssyncset.done $0x0  }
0x71: {  	[sflag:s13] =	ssyncadd.s32 $0xFFFFC000  }
0x72: {  	[tilespmem:s15], [sflag:$0x4] =	stream.indirect.gather [spmem:s2], $0x80, s0, s5, $0xb8;
	[tilespmem:$0x19000] =	vst v63  }
0x73: {  	_ =	swait.ge [sflag:s8], $0x4000  }
0x74: {  	[sflag:s8] =	ssyncset.done $0x0  }
0x75: {  	s0 =	rddreg [dreg:$0xc];
	[sflag:s8] =	ssyncadd.s32 $0xFFFFC000  }
0x76: {  	[hbm4b:s0+s1] =	stream.linear.scatter [tilespmem:s3], [sflag:$0x8], $0x4000, $0x38;
	[tilespmem:$0x19000] =	vst v63  }
0x77: {  	_ =	swait.ge [sflag:s14], $0x4000  }
0x78: {  	s0 =	sld [smem:$0x7F6]  }
0x79: {  	[sflag:s14] =	ssyncset.done $0x0  }
0x7a: {  	[sflag:s14] =	ssyncadd.s32 $0xFFFFC000  }
0x7b: {  	[tilespmem:s11], [sflag:$0x5] =	stream.indirect.gather [spmem:s2], $0x80, s0, s5, $0xb8;
	[tilespmem:$0x19000] =	vst v63  }
0x7c: {  	_ =	swait.ge [sflag:s21], $0x4000  }
0x7d: {  	[sflag:s21] =	ssyncset.done $0x0  }
0x7e: {  	s0 =	rddreg [dreg:$0xd];
	[sflag:s21] =	ssyncadd.s32 $0xFFFFC000  }
0x7f: {  	[hbm4b:s0+s1] =	stream.linear.scatter [tilespmem:s17], [sflag:$0x9], $0x4000, $0x38;
	[tilespmem:$0x19000] =	vst v63  }
0x80: {  	_ =	swait.ge [sflag:s16], $0x4000  }
0x81: {  	s0 =	sld [smem:$0x7F7]  }
0x82: {  	[sflag:s16] =	ssyncset.done $0x0  }
0x83: {  	[sflag:s16] =	ssyncadd.s32 $0xFFFFC000  }
0x84: {  	[tilespmem:s10], [sflag:$0x6] =	stream.indirect.gather [spmem:s2], $0x80, s0, s5, $0xb8;
	[tilespmem:$0x19000] =	vst v63  }
0x85: {  	_ =	swait.ge [sflag:s20], $0x4000  }
0x86: {  	[sflag:s20] =	ssyncset.done $0x0  }
0x87: {  	s0 =	rddreg [dreg:$0xe];
	[sflag:s20] =	ssyncadd.s32 $0xFFFFC000  }
0x88: {  	[hbm4b:s0+s1] =	stream.linear.scatter [tilespmem:s15], [sflag:$0xA], $0x4000, $0x38;
	[tilespmem:$0x19000] =	vst v63  }
0x89: {  	_ =	swait.ge [sflag:s7], $0x4000  }
0x8a: {  	s0 =	sld [smem:$0x7F8]  }
0x8b: {  	[sflag:s7] =	ssyncset.done $0x0  }
0x8c: {  	[sflag:s7] =	ssyncadd.s32 $0xFFFFC000  }
0x8d: {  	[tilespmem:s4], [sflag:$0x1] =	stream.indirect.gather [spmem:s2], $0x80, s0, s5, $0xb8;
	[tilespmem:$0x19000] =	vst v63  }
0x8e: {  	_ =	swait.ge [sflag:s19], $0x4000  }
0x8f: {  	[sflag:s19] =	ssyncset.done $0x0  }
0x90: {  	s0 =	rddreg [dreg:$0xf];
	[sflag:s19] =	ssyncadd.s32 $0xFFFFC000  }
0x91: {  	[hbm4b:s0+s1] =	stream.linear.scatter [tilespmem:s11], [sflag:$0xB], $0x4000, $0x38;
	[tilespmem:$0x19000] =	vst v63  }
0x92: {  	_ =	swait.ge [sflag:s9], $0x4000  }
0x93: {  	s0 =	sld [smem:$0x7F9]  }
0x94: {  	[sflag:s9] =	ssyncset.done $0x0  }
0x95: {  	[sflag:s9] =	ssyncadd.s32 $0xFFFFC000  }
0x96: {  	[tilespmem:s3], [sflag:$0x2] =	stream.indirect.gather [spmem:s2], $0x80, s0, s5, $0xb8;
	[tilespmem:$0x19000] =	vst v63  }
0x97: {  	_ =	swait.ge [sflag:s18], $0x4000  }
0x98: {  	[sflag:s18] =	ssyncset.done $0x0  }
0x99: {  	s0 =	rddreg [dreg:$0x10];
	[sflag:s18] =	ssyncadd.s32 $0xFFFFC000  }
0x9a: {  	[hbm4b:s0+s1] =	stream.linear.scatter [tilespmem:s10], [sflag:$0xC], $0x4000, $0x38;
	[tilespmem:$0x19000] =	vst v63  }
0x9b: {  	_ =	swait.ge [sflag:s12], $0x4000  }
0x9c: {  	s0 =	sld [smem:$0x7FA]  }
0x9d: {  	[sflag:s12] =	ssyncset.done $0x0  }
0x9e: {  	[sflag:s12] =	ssyncadd.s32 $0xFFFFC000  }
0x9f: {  	[tilespmem:s17], [sflag:$0x3] =	stream.indirect.gather [spmem:s2], $0x80, s0, s5, $0xb8;
	[tilespmem:$0x19000] =	vst v63  }
0xa0: {  	_ =	swait.ge [sflag:s6], $0x4000  }
0xa1: {  	[sflag:s6] =	ssyncset.done $0x0  }
0xa2: {  	s0 =	rddreg [dreg:$0x11];
	[sflag:s6] =	ssyncadd.s32 $0xFFFFC000  }
0xa3: {  	[hbm4b:s0+s1] =	stream.linear.scatter [tilespmem:s4], [sflag:$0x7], $0x4000, $0x38;
	[tilespmem:$0x19000] =	vst v63  }
0xa4: {  	_ =	swait.ge [sflag:s13], $0x4000  }
0xa5: {  	s0 =	sld [smem:$0x7FB]  }
0xa6: {  	[sflag:s13] =	ssyncset.done $0x0  }
0xa7: {  	[sflag:s13] =	ssyncadd.s32 $0xFFFFC000  }
0xa8: {  	[tilespmem:s15], [sflag:$0x4] =	stream.indirect.gather [spmem:s2], $0x80, s0, s5, $0xb8;
	[tilespmem:$0x19000] =	vst v63  }
0xa9: {  	_ =	swait.ge [sflag:s8], $0x4000  }
0xaa: {  	[sflag:s8] =	ssyncset.done $0x0  }
0xab: {  	s0 =	rddreg [dreg:$0x12];
	[sflag:s8] =	ssyncadd.s32 $0xFFFFC000  }
0xac: {  	[hbm4b:s0+s1] =	stream.linear.scatter [tilespmem:s3], [sflag:$0x8], $0x4000, $0x38;
	[tilespmem:$0x19000] =	vst v63  }
0xad: {  	_ =	swait.ge [sflag:s14], $0x4000  }
0xae: {  	s0 =	sld [smem:$0x7FC]  }
0xaf: {  	[sflag:s14] =	ssyncset.done $0x0  }
0xb0: {  	[sflag:s14] =	ssyncadd.s32 $0xFFFFC000  }
0xb1: {  	[tilespmem:s11], [sflag:$0x5] =	stream.indirect.gather [spmem:s2], $0x80, s0, s5, $0xb8;
	[tilespmem:$0x19000] =	vst v63  }
0xb2: {  	_ =	swait.ge [sflag:s21], $0x4000  }
0xb3: {  	[sflag:s21] =	ssyncset.done $0x0  }
0xb4: {  	s0 =	rddreg [dreg:$0x13];
	[sflag:s21] =	ssyncadd.s32 $0xFFFFC000  }
0xb5: {  	[hbm4b:s0+s1] =	stream.linear.scatter [tilespmem:s17], [sflag:$0x9], $0x4000, $0x38;
	[tilespmem:$0x19000] =	vst v63  }
0xb6: {  	_ =	swait.ge [sflag:s16], $0x4000  }
0xb7: {  	s0 =	sld [smem:$0x7FD]  }
0xb8: {  	[sflag:s16] =	ssyncset.done $0x0  }
0xb9: {  	[sflag:s16] =	ssyncadd.s32 $0xFFFFC000  }
0xba: {  	[tilespmem:s10], [sflag:$0x6] =	stream.indirect.gather [spmem:s2], $0x80, s0, s5, $0xb8;
	[tilespmem:$0x19000] =	vst v63  }
0xbb: {  	_ =	swait.ge [sflag:s20], $0x4000  }
0xbc: {  	[sflag:s20] =	ssyncset.done $0x0  }
0xbd: {  	s0 =	rddreg [dreg:$0x14];
	[sflag:s20] =	ssyncadd.s32 $0xFFFFC000  }
0xbe: {  	[hbm4b:s0+s1] =	stream.linear.scatter [tilespmem:s15], [sflag:$0xA], $0x4000, $0x38;
	[tilespmem:$0x19000] =	vst v63  }
0xbf: {  	_ =	swait.ge [sflag:s7], $0x4000  }
0xc0: {  	[sflag:s7] =	ssyncset.done $0x0  }
0xc1: {  	[sflag:s7] =	ssyncadd.s32 $0xFFFFC000  }
0xc2: {  	[tilespmem:s4], [sflag:$0x1] =	stream.indirect.gather [spmem:s2], $0x80, s23, s5, $0xb8;
	[tilespmem:$0x19000] =	vst v63  }
0xc3: {  	_ =	swait.ge [sflag:s19], $0x4000  }
0xc4: {  	[sflag:s19] =	ssyncset.done $0x0  }
0xc5: {  	s0 =	rddreg [dreg:$0x15];
	[sflag:s19] =	ssyncadd.s32 $0xFFFFC000  }
0xc6: {  	[hbm4b:s0+s1] =	stream.linear.scatter [tilespmem:s11], [sflag:$0xB], $0x4000, $0x38;
	[tilespmem:$0x19000] =	vst v63  }
0xc7: {  	_ =	swait.ge [sflag:s9], $0x4000  }
0xc8: {  	[sflag:s9] =	ssyncset.done $0x0  }
0xc9: {  	s0 =	simm.s32 $0xD80;
	[sflag:s9] =	ssyncadd.s32 $0xFFFFC000  }
0xca: {  	[tilespmem:s3], [sflag:$0x2] =	stream.indirect.gather [spmem:s2], $0x80, s0, s5, $0xb8;
	[tilespmem:$0x19000] =	vst v63  }
0xcb: {  	_ =	swait.ge [sflag:s18], $0x4000  }
0xcc: {  	[sflag:s18] =	ssyncset.done $0x0  }
0xcd: {  	s0 =	rddreg [dreg:$0x16];
	[sflag:s18] =	ssyncadd.s32 $0xFFFFC000  }
0xce: {  	[hbm4b:s0+s1] =	stream.linear.scatter [tilespmem:s10], [sflag:$0xC], $0x4000, $0x38;
	[tilespmem:$0x19000] =	vst v63  }
0xcf: {  	_ =	swait.ge [sflag:s6], $0x4000  }
0xd0: {  	[sflag:s6] =	ssyncset.done $0x0  }
0xd1: {  	s0 =	rddreg [dreg:$0x17];
	[sflag:s6] =	ssyncadd.s32 $0xFFFFC000  }
0xd2: {  	[hbm4b:s0+s1] =	stream.linear.scatter [tilespmem:s4], [sflag:$0x7], $0x4000, $0x38;
	[tilespmem:$0x19000] =	vst v63  }
0xd3: {  	_ =	swait.ge [sflag:s8], $0x4000  }
0xd4: {  	[sflag:s8] =	ssyncset.done $0x0  }
0xd5: {  	s0 =	rddreg [dreg:$0x18];
	[sflag:s8] =	ssyncadd.s32 $0xFFFFC000  }
0xd6: {  	[hbm4b:s0+s1] =	stream.linear.scatter [tilespmem:s3], [sflag:$0x8], $0x4000, $0x38;
	[tilespmem:$0x19000] =	vst v63  }
0xd7: {  	_ =	swait.ge [sflag:s12], $0x4000  }
0xd8: {  	[sflag:s12] =	ssyncset.done $0x0  }
0xd9: {  	[sflag:s12] =	ssyncadd.s32 $0xFFFFC000  }
0xda: {  	_ =	swait.ge [sflag:s13], $0x4000  }
0xdb: {  	[sflag:s13] =	ssyncset.done $0x0  }
0xdc: {  	[sflag:s13] =	ssyncadd.s32 $0xFFFFC000  }
0xdd: {  	_ =	swait.ge [sflag:s14], $0x4000  }
0xde: {  	[sflag:s14] =	ssyncset.done $0x0  }
0xdf: {  	[sflag:s14] =	ssyncadd.s32 $0xFFFFC000  }
0xe0: {  	_ =	swait.ge [sflag:s16], $0x4000  }
0xe1: {  	s31 =	sadd.s32 $0xFFFFFFFF, s22;
	[sflag:s16] =	ssyncset.done $0x0  }
0xe2: {  	p2 =	sne.s32 s31, $0x0;
	[sflag:s16] =	ssyncadd.s32 $0xFFFFC000  }
.Ltmp1:
0xe3: {  	_ =	swait.ge [sflag:s7], $0x4000;
	(pc) =	sbr.rel @!p2 .LBB2_3-.Ltmp1, $4  }
0xe4: {  	[sflag:s7] =	ssyncset.done $0x0  }
0xe5: {  	[sflag:s7] =	ssyncadd.s32 $0xFFFFC000  }
0xe6: {  	_ =	swait.ge [sflag:s9], $0x4000  }
0xe7: {  	p1 =	por $0x1, $0x1;
	s0 =	rddreg [dreg:$0x4];
	[sflag:s9] =	ssyncset.done $0x0  }
.LBB2_4:
0xe8: {  	[sflag:s9] =	ssyncadd.s32 $0xFFFFC000  }
0xe9: {  	[spmem:s28], [sflag:s29] =	dma.local @!p0 [hbm:s0], $0x800  }
0xea: {  	_ =	swait.ge @!p0 [sflag:s30], $0x800  }
0xeb: {  	[sflag:s30] =	ssyncset.done @!p0 $0x0  }
0xec: {  	s22 =	rddreg [dreg:$0x5];
	[sflag:s30] =	ssyncadd.s32 @!p0 $0xFFFFF800  }
0xed: {  	[tilespmem:s25], [sflag:$0xD] =	stream.linear.gather [hbm4b:s22+s1], $0xA00, $0x38;
	[tilespmem:$0x19000] =	vst v63  }
0xee: {  	_ =	swait.ge [sflag:s26], $0xA00  }
0xef: {  	[sflag:s26] =	ssyncset.done $0x0  }
0xf0: {  	[sflag:s26] =	ssyncadd.s32 $0xFFFFF600  }
0xf1: {  	[bflag:$0x0] =	sbarrier.arrive $0xFFFF  }
0xf2: {  	[tilespmem:s4], [sflag:$0x1] =	stream.indirect.gather [spmem:s2], $0x80, s25, s5, $0xb8;
	[tilespmem:$0x19000] =	vst v63  }
0xf3: {  	s0 =	rddreg [dreg:$0x19]  }
0xf4: {  	[tilespmem:s3], [sflag:$0x2] =	stream.indirect.gather [spmem:s2], $0x80, s0, s5, $0xb8;
	[tilespmem:$0x19000] =	vst v63  }
0xf5: {  	s22 =	rddreg [dreg:$0x1a]  }
0xf6: {  	[tilespmem:s17], [sflag:$0x3] =	stream.indirect.gather [spmem:s2], $0x80, s22, s5, $0xb8;
	[tilespmem:$0x19000] =	vst v63  }
0xf7: {  	_ =	swait.ge [sflag:s6], $0x4000  }
0xf8: {  	[sflag:s6] =	ssyncset.done $0x0  }
0xf9: {  	[sflag:s6] =	ssyncadd.s32 $0xFFFFC000  }
0xfa: {  	[hbm4b:s24+s1] =	stream.linear.scatter [tilespmem:s4], [sflag:$0x7], $0x4000, $0x38;
	[tilespmem:$0x19000] =	vst v63  }
0xfb: {  	s22 =	rddreg [dreg:$0x1b]  }
0xfc: {  	[tilespmem:s15], [sflag:$0x4] =	stream.indirect.gather [spmem:s2], $0x80, s22, s5, $0xb8;
	[tilespmem:$0x19000] =	vst v63  }
0xfd: {  	_ =	swait.ge [sflag:s8], $0x4000  }
0xfe: {  	[sflag:s8] =	ssyncset.done $0x0  }
0xff: {  	s0 =	rddreg [dreg:$0x6];
	[sflag:s8] =	ssyncadd.s32 $0xFFFFC000  }
0x100: {  	[hbm4b:s0+s1] =	stream.linear.scatter [tilespmem:s3], [sflag:$0x8], $0x4000, $0x38;
	[tilespmem:$0x19000] =	vst v63  }
0x101: {  	s22 =	rddreg [dreg:$0x1c]  }
0x102: {  	[tilespmem:s11], [sflag:$0x5] =	stream.indirect.gather [spmem:s2], $0x80, s22, s5, $0xb8;
	[tilespmem:$0x19000] =	vst v63  }
0x103: {  	_ =	swait.ge [sflag:s21], $0x4000  }
0x104: {  	[sflag:s21] =	ssyncset.done $0x0  }
0x105: {  	s0 =	rddreg [dreg:$0x7];
	[sflag:s21] =	ssyncadd.s32 $0xFFFFC000  }
0x106: {  	[hbm4b:s0+s1] =	stream.linear.scatter [tilespmem:s17], [sflag:$0x9], $0x4000, $0x38;
	[tilespmem:$0x19000] =	vst v63  }
0x107: {  	s22 =	rddreg [dreg:$0x1d]  }
0x108: {  	[tilespmem:s10], [sflag:$0x6] =	stream.indirect.gather [spmem:s2], $0x80, s22, s5, $0xb8;
	[tilespmem:$0x19000] =	vst v63  }
0x109: {  	_ =	swait.ge [sflag:s20], $0x4000  }
0x10a: {  	[sflag:s20] =	ssyncset.done $0x0  }
0x10b: {  	s0 =	rddreg [dreg:$0x8];
	[sflag:s20] =	ssyncadd.s32 $0xFFFFC000  }
0x10c: {  	[hbm4b:s0+s1] =	stream.linear.scatter [tilespmem:s15], [sflag:$0xA], $0x4000, $0x38;
	[tilespmem:$0x19000] =	vst v63  }
0x10d: {  	_ =	swait.ge [sflag:s7], $0x4000  }
0x10e: {  	[sflag:s7] =	ssyncset.done $0x0  }
0x10f: {  	s0 =	rddreg [dreg:$0x1e];
	[sflag:s7] =	ssyncadd.s32 $0xFFFFC000  }
0x110: {  	[tilespmem:s4], [sflag:$0x1] =	stream.indirect.gather [spmem:s2], $0x80, s0, s5, $0xb8;
	[tilespmem:$0x19000] =	vst v63  }
0x111: {  	_ =	swait.ge [sflag:s19], $0x4000  }
0x112: {  	[sflag:s19] =	ssyncset.done $0x0  }
0x113: {  	s0 =	rddreg [dreg:$0x9];
	[sflag:s19] =	ssyncadd.s32 $0xFFFFC000  }
0x114: {  	[hbm4b:s0+s1] =	stream.linear.scatter [tilespmem:s11], [sflag:$0xB], $0x4000, $0x38;
	[tilespmem:$0x19000] =	vst v63  }
0x115: {  	_ =	swait.ge [sflag:s9], $0x4000  }
0x116: {  	[sflag:s9] =	ssyncset.done $0x0  }
0x117: {  	s0 =	rddreg [dreg:$0x1f];
	[sflag:s9] =	ssyncadd.s32 $0xFFFFC000  }
0x118: {  	[tilespmem:s3], [sflag:$0x2] =	stream.indirect.gather [spmem:s2], $0x80, s0, s5, $0xb8;
	[tilespmem:$0x19000] =	vst v63  }
0x119: {  	_ =	swait.ge [sflag:s18], $0x4000  }
0x11a: {  	[sflag:s18] =	ssyncset.done $0x0  }
0x11b: {  	s0 =	rddreg [dreg:$0xa];
	[sflag:s18] =	ssyncadd.s32 $0xFFFFC000  }
0x11c: {  	[hbm4b:s0+s1] =	stream.linear.scatter [tilespmem:s10], [sflag:$0xC], $0x4000, $0x38;
	[tilespmem:$0x19000] =	vst v63  }
0x11d: {  	_ =	swait.ge [sflag:s12], $0x4000  }
0x11e: {  	s0 =	sld [smem:$0x7F4]  }
0x11f: {  	[sflag:s12] =	ssyncset.done $0x0  }
0x120: {  	[sflag:s12] =	ssyncadd.s32 $0xFFFFC000  }
0x121: {  	[tilespmem:s17], [sflag:$0x3] =	stream.indirect.gather [spmem:s2], $0x80, s0, s5, $0xb8;
	[tilespmem:$0x19000] =	vst v63  }
0x122: {  	_ =	swait.ge [sflag:s6], $0x4000  }
0x123: {  	[sflag:s6] =	ssyncset.done $0x0  }
0x124: {  	s0 =	rddreg [dreg:$0xb];
	[sflag:s6] =	ssyncadd.s32 $0xFFFFC000  }
0x125: {  	[hbm4b:s0+s1] =	stream.linear.scatter [tilespmem:s4], [sflag:$0x7], $0x4000, $0x38;
	[tilespmem:$0x19000] =	vst v63  }
0x126: {  	_ =	swait.ge [sflag:s13], $0x4000  }
0x127: {  	s0 =	sld [smem:$0x7F5]  }
0x128: {  	[sflag:s13] =	ssyncset.done $0x0  }
0x129: {  	[sflag:s13] =	ssyncadd.s32 $0xFFFFC000  }
0x12a: {  	[tilespmem:s15], [sflag:$0x4] =	stream.indirect.gather [spmem:s2], $0x80, s0, s5, $0xb8;
	[tilespmem:$0x19000] =	vst v63  }
0x12b: {  	_ =	swait.ge [sflag:s8], $0x4000  }
0x12c: {  	[sflag:s8] =	ssyncset.done $0x0  }
0x12d: {  	s0 =	rddreg [dreg:$0xc];
	[sflag:s8] =	ssyncadd.s32 $0xFFFFC000  }
0x12e: {  	[hbm4b:s0+s1] =	stream.linear.scatter [tilespmem:s3], [sflag:$0x8], $0x4000, $0x38;
	[tilespmem:$0x19000] =	vst v63  }
0x12f: {  	_ =	swait.ge [sflag:s14], $0x4000  }
0x130: {  	s0 =	sld [smem:$0x7F6]  }
0x131: {  	[sflag:s14] =	ssyncset.done $0x0  }
0x132: {  	[sflag:s14] =	ssyncadd.s32 $0xFFFFC000  }
0x133: {  	[tilespmem:s11], [sflag:$0x5] =	stream.indirect.gather [spmem:s2], $0x80, s0, s5, $0xb8;
	[tilespmem:$0x19000] =	vst v63  }
0x134: {  	_ =	swait.ge [sflag:s21], $0x4000  }
0x135: {  	[sflag:s21] =	ssyncset.done $0x0  }
0x136: {  	s0 =	rddreg [dreg:$0xd];
	[sflag:s21] =	ssyncadd.s32 $0xFFFFC000  }
0x137: {  	[hbm4b:s0+s1] =	stream.linear.scatter [tilespmem:s17], [sflag:$0x9], $0x4000, $0x38;
	[tilespmem:$0x19000] =	vst v63  }
0x138: {  	_ =	swait.ge [sflag:s16], $0x4000  }
0x139: {  	s0 =	sld [smem:$0x7F7]  }
0x13a: {  	[sflag:s16] =	ssyncset.done $0x0  }
0x13b: {  	[sflag:s16] =	ssyncadd.s32 $0xFFFFC000  }
0x13c: {  	[tilespmem:s10], [sflag:$0x6] =	stream.indirect.gather [spmem:s2], $0x80, s0, s5, $0xb8;
	[tilespmem:$0x19000] =	vst v63  }
0x13d: {  	_ =	swait.ge [sflag:s20], $0x4000  }
0x13e: {  	[sflag:s20] =	ssyncset.done $0x0  }
0x13f: {  	s0 =	rddreg [dreg:$0xe];
	[sflag:s20] =	ssyncadd.s32 $0xFFFFC000  }
0x140: {  	[hbm4b:s0+s1] =	stream.linear.scatter [tilespmem:s15], [sflag:$0xA], $0x4000, $0x38;
	[tilespmem:$0x19000] =	vst v63  }
0x141: {  	_ =	swait.ge [sflag:s7], $0x4000  }
0x142: {  	s0 =	sld [smem:$0x7F8]  }
0x143: {  	[sflag:s7] =	ssyncset.done $0x0  }
0x144: {  	[sflag:s7] =	ssyncadd.s32 $0xFFFFC000  }
0x145: {  	[tilespmem:s4], [sflag:$0x1] =	stream.indirect.gather [spmem:s2], $0x80, s0, s5, $0xb8;
	[tilespmem:$0x19000] =	vst v63  }
0x146: {  	_ =	swait.ge [sflag:s19], $0x4000  }
0x147: {  	[sflag:s19] =	ssyncset.done $0x0  }
0x148: {  	s0 =	rddreg [dreg:$0xf];
	[sflag:s19] =	ssyncadd.s32 $0xFFFFC000  }
0x149: {  	[hbm4b:s0+s1] =	stream.linear.scatter [tilespmem:s11], [sflag:$0xB], $0x4000, $0x38;
	[tilespmem:$0x19000] =	vst v63  }
0x14a: {  	_ =	swait.ge [sflag:s9], $0x4000  }
0x14b: {  	s0 =	sld [smem:$0x7F9]  }
0x14c: {  	[sflag:s9] =	ssyncset.done $0x0  }
0x14d: {  	[sflag:s9] =	ssyncadd.s32 $0xFFFFC000  }
0x14e: {  	[tilespmem:s3], [sflag:$0x2] =	stream.indirect.gather [spmem:s2], $0x80, s0, s5, $0xb8;
	[tilespmem:$0x19000] =	vst v63  }
0x14f: {  	_ =	swait.ge [sflag:s18], $0x4000  }
0x150: {  	[sflag:s18] =	ssyncset.done $0x0  }
0x151: {  	s0 =	rddreg [dreg:$0x10];
	[sflag:s18] =	ssyncadd.s32 $0xFFFFC000  }
0x152: {  	[hbm4b:s0+s1] =	stream.linear.scatter [tilespmem:s10], [sflag:$0xC], $0x4000, $0x38;
	[tilespmem:$0x19000] =	vst v63  }
0x153: {  	_ =	swait.ge [sflag:s12], $0x4000  }
0x154: {  	s0 =	sld [smem:$0x7FA]  }
0x155: {  	[sflag:s12] =	ssyncset.done $0x0  }
0x156: {  	[sflag:s12] =	ssyncadd.s32 $0xFFFFC000  }
0x157: {  	[tilespmem:s17], [sflag:$0x3] =	stream.indirect.gather [spmem:s2], $0x80, s0, s5, $0xb8;
	[tilespmem:$0x19000] =	vst v63  }
0x158: {  	_ =	swait.ge [sflag:s6], $0x4000  }
0x159: {  	[sflag:s6] =	ssyncset.done $0x0  }
0x15a: {  	s0 =	rddreg [dreg:$0x11];
	[sflag:s6] =	ssyncadd.s32 $0xFFFFC000  }
0x15b: {  	[hbm4b:s0+s1] =	stream.linear.scatter [tilespmem:s4], [sflag:$0x7], $0x4000, $0x38;
	[tilespmem:$0x19000] =	vst v63  }
0x15c: {  	_ =	swait.ge [sflag:s13], $0x4000  }
0x15d: {  	s0 =	sld [smem:$0x7FB]  }
0x15e: {  	[sflag:s13] =	ssyncset.done $0x0  }
0x15f: {  	[sflag:s13] =	ssyncadd.s32 $0xFFFFC000  }
0x160: {  	[tilespmem:s15], [sflag:$0x4] =	stream.indirect.gather [spmem:s2], $0x80, s0, s5, $0xb8;
	[tilespmem:$0x19000] =	vst v63  }
0x161: {  	_ =	swait.ge [sflag:s8], $0x4000  }
0x162: {  	[sflag:s8] =	ssyncset.done $0x0  }
0x163: {  	s0 =	rddreg [dreg:$0x12];
	[sflag:s8] =	ssyncadd.s32 $0xFFFFC000  }
0x164: {  	[hbm4b:s0+s1] =	stream.linear.scatter [tilespmem:s3], [sflag:$0x8], $0x4000, $0x38;
	[tilespmem:$0x19000] =	vst v63  }
0x165: {  	_ =	swait.ge [sflag:s14], $0x4000  }
0x166: {  	s0 =	sld [smem:$0x7FC]  }
0x167: {  	[sflag:s14] =	ssyncset.done $0x0  }
0x168: {  	[sflag:s14] =	ssyncadd.s32 $0xFFFFC000  }
0x169: {  	[tilespmem:s11], [sflag:$0x5] =	stream.indirect.gather [spmem:s2], $0x80, s0, s5, $0xb8;
	[tilespmem:$0x19000] =	vst v63  }
0x16a: {  	_ =	swait.ge [sflag:s21], $0x4000  }
0x16b: {  	[sflag:s21] =	ssyncset.done $0x0  }
0x16c: {  	s0 =	rddreg [dreg:$0x13];
	[sflag:s21] =	ssyncadd.s32 $0xFFFFC000  }
0x16d: {  	[hbm4b:s0+s1] =	stream.linear.scatter [tilespmem:s17], [sflag:$0x9], $0x4000, $0x38;
	[tilespmem:$0x19000] =	vst v63  }
0x16e: {  	_ =	swait.ge [sflag:s16], $0x4000  }
0x16f: {  	s0 =	sld [smem:$0x7FD]  }
0x170: {  	[sflag:s16] =	ssyncset.done $0x0  }
0x171: {  	[sflag:s16] =	ssyncadd.s32 $0xFFFFC000  }
0x172: {  	[tilespmem:s10], [sflag:$0x6] =	stream.indirect.gather [spmem:s2], $0x80, s0, s5, $0xb8;
	[tilespmem:$0x19000] =	vst v63  }
0x173: {  	_ =	swait.ge [sflag:s20], $0x4000  }
0x174: {  	[sflag:s20] =	ssyncset.done $0x0  }
0x175: {  	s0 =	rddreg [dreg:$0x14];
	[sflag:s20] =	ssyncadd.s32 $0xFFFFC000  }
0x176: {  	[hbm4b:s0+s1] =	stream.linear.scatter [tilespmem:s15], [sflag:$0xA], $0x4000, $0x38;
	[tilespmem:$0x19000] =	vst v63  }
0x177: {  	_ =	swait.ge [sflag:s7], $0x4000  }
0x178: {  	[sflag:s7] =	ssyncset.done $0x0  }
0x179: {  	[sflag:s7] =	ssyncadd.s32 $0xFFFFC000  }
0x17a: {  	[tilespmem:s4], [sflag:$0x1] =	stream.indirect.gather [spmem:s2], $0x80, s23, s5, $0xb8;
	[tilespmem:$0x19000] =	vst v63  }
0x17b: {  	_ =	swait.ge [sflag:s19], $0x4000  }
0x17c: {  	[sflag:s19] =	ssyncset.done $0x0  }
0x17d: {  	s0 =	rddreg [dreg:$0x15];
	[sflag:s19] =	ssyncadd.s32 $0xFFFFC000  }
0x17e: {  	[hbm4b:s0+s1] =	stream.linear.scatter [tilespmem:s11], [sflag:$0xB], $0x4000, $0x38;
	[tilespmem:$0x19000] =	vst v63  }
0x17f: {  	_ =	swait.ge [sflag:s9], $0x4000  }
0x180: {  	[sflag:s9] =	ssyncset.done $0x0  }
0x181: {  	s22 =	simm.s32 $0xD80;
	[sflag:s9] =	ssyncadd.s32 $0xFFFFC000  }
0x182: {  	[tilespmem:s3], [sflag:$0x2] =	stream.indirect.gather [spmem:s2], $0x80, s22, s5, $0xb8;
	[tilespmem:$0x19000] =	vst v63  }
0x183: {  	_ =	swait.ge [sflag:s18], $0x4000  }
0x184: {  	[sflag:s18] =	ssyncset.done $0x0  }
0x185: {  	s22 =	rddreg [dreg:$0x16];
	[sflag:s18] =	ssyncadd.s32 $0xFFFFC000  }
0x186: {  	[hbm4b:s22+s1] =	stream.linear.scatter [tilespmem:s10], [sflag:$0xC], $0x4000, $0x38;
	[tilespmem:$0x19000] =	vst v63  }
0x187: {  	_ =	swait.ge [sflag:s6], $0x4000  }
0x188: {  	[sflag:s6] =	ssyncset.done $0x0  }
0x189: {  	s22 =	rddreg [dreg:$0x17];
	[sflag:s6] =	ssyncadd.s32 $0xFFFFC000  }
0x18a: {  	[hbm4b:s22+s1] =	stream.linear.scatter [tilespmem:s4], [sflag:$0x7], $0x4000, $0x38;
	[tilespmem:$0x19000] =	vst v63  }
0x18b: {  	_ =	swait.ge [sflag:s8], $0x4000  }
0x18c: {  	[sflag:s8] =	ssyncset.done $0x0  }
0x18d: {  	s22 =	rddreg [dreg:$0x18];
	[sflag:s8] =	ssyncadd.s32 $0xFFFFC000  }
0x18e: {  	[hbm4b:s22+s1] =	stream.linear.scatter [tilespmem:s3], [sflag:$0x8], $0x4000, $0x38;
	[tilespmem:$0x19000] =	vst v63  }
0x18f: {  	_ =	swait.ge [sflag:s12], $0x4000  }
0x190: {  	[sflag:s12] =	ssyncset.done $0x0  }
0x191: {  	[sflag:s12] =	ssyncadd.s32 $0xFFFFC000  }
0x192: {  	_ =	swait.ge [sflag:s13], $0x4000  }
0x193: {  	[sflag:s13] =	ssyncset.done $0x0  }
0x194: {  	[sflag:s13] =	ssyncadd.s32 $0xFFFFC000  }
0x195: {  	_ =	swait.ge [sflag:s14], $0x4000  }
0x196: {  	[sflag:s14] =	ssyncset.done $0x0  }
0x197: {  	[sflag:s14] =	ssyncadd.s32 $0xFFFFC000  }
0x198: {  	_ =	swait.ge [sflag:s16], $0x4000  }
0x199: {  	s31 =	sadd.s32 $0xFFFFFFFF, s31;
	[sflag:s16] =	ssyncset.done $0x0  }
0x19a: {  	p2 =	sne.s32 s31, $0x0;
	[sflag:s16] =	ssyncadd.s32 $0xFFFFC000  }
.Ltmp2:
0x19b: {  	_ =	swait.ge [sflag:s7], $0x4000;
	(pc) =	sbr.rel @p2 .LBB2_4-.Ltmp2, $4  }
0x19c: {  	[sflag:s7] =	ssyncset.done $0x0  }
0x19d: {  	[sflag:s7] =	ssyncadd.s32 $0xFFFFC000  }
0x19e: {  	_ =	swait.ge [sflag:s9], $0x4000  }
0x19f: {  	s0 =	rddreg [dreg:$0x4];
	[sflag:s9] =	ssyncset.done $0x0  }
0x1a0: {  	s30 =	simm.s32 $0xD80;
	s29 =	rddreg [dreg:$0x3]  }
.LBB2_6:
0x1a1: {  	[sflag:s9] =	ssyncadd.s32 @p1 $0xFFFFC000;
	s22 =	simm.s32 @!p0 $0x1C0D  }
0x1a2: {  	[spmem:s28], [sflag:s22] =	dma.local @!p0 [hbm:s0], $0x800  }
0x1a3: {  	s0 =	simm.s32 @!p0 $0xD  }
0x1a4: {  	_ =	swait.ge @!p0 [sflag:s0], $0x800  }
0x1a5: {  	[sflag:s0] =	ssyncset.done @!p0 $0x0  }
0x1a6: {  	s31 =	rddreg [dreg:$0x5];
	[sflag:s0] =	ssyncadd.s32 @!p0 $0xFFFFF800  }
0x1a7: {  	[tilespmem:s25], [sflag:$0xD] =	stream.linear.gather [hbm4b:s31+s1], $0xA00, $0x38;
	[tilespmem:$0x19000] =	vst v63  }
0x1a8: {  	_ =	swait.ge [sflag:s26], $0xA00  }
0x1a9: {  	[sflag:s26] =	ssyncset.done $0x0  }
0x1aa: {  	[sflag:s26] =	ssyncadd.s32 $0xFFFFF600  }
0x1ab: {  	[bflag:$0x0] =	sbarrier.arrive $0xFFFF  }
0x1ac: {  	[tilespmem:s4], [sflag:$0x1] =	stream.indirect.gather [spmem:s2], $0x80, s25, s5, $0xb8;
	[tilespmem:$0x19000] =	vst v63  }
0x1ad: {  	s22 =	rddreg [dreg:$0x19]  }
0x1ae: {  	[tilespmem:s3], [sflag:$0x2] =	stream.indirect.gather [spmem:s2], $0x80, s22, s5, $0xb8;
	[tilespmem:$0x19000] =	vst v63  }
0x1af: {  	s25 =	rddreg [dreg:$0x1a]  }
0x1b0: {  	[tilespmem:s17], [sflag:$0x3] =	stream.indirect.gather [spmem:s2], $0x80, s25, s5, $0xb8;
	[tilespmem:$0x19000] =	vst v63  }
0x1b1: {  	_ =	swait.ge [sflag:s6], $0x4000  }
0x1b2: {  	[sflag:s6] =	ssyncset.done $0x0  }
0x1b3: {  	[sflag:s6] =	ssyncadd.s32 $0xFFFFC000  }
0x1b4: {  	[hbm4b:s24+s1] =	stream.linear.scatter [tilespmem:s4], [sflag:$0x7], $0x4000, $0x38;
	[tilespmem:$0x19000] =	vst v63  }
0x1b5: {  	s26 =	rddreg [dreg:$0x1b]  }
0x1b6: {  	[tilespmem:s15], [sflag:$0x4] =	stream.indirect.gather [spmem:s2], $0x80, s26, s5, $0xb8;
	[tilespmem:$0x19000] =	vst v63  }
0x1b7: {  	_ =	swait.ge [sflag:s8], $0x4000  }
0x1b8: {  	[sflag:s8] =	ssyncset.done $0x0  }
0x1b9: {  	s28 =	rddreg [dreg:$0x6];
	[sflag:s8] =	ssyncadd.s32 $0xFFFFC000  }
0x1ba: {  	[hbm4b:s28+s1] =	stream.linear.scatter [tilespmem:s3], [sflag:$0x8], $0x4000, $0x38;
	[tilespmem:$0x19000] =	vst v63  }
0x1bb: {  	s31 =	rddreg [dreg:$0x1c]  }
0x1bc: {  	[tilespmem:s11], [sflag:$0x5] =	stream.indirect.gather [spmem:s2], $0x80, s31, s5, $0xb8;
	[tilespmem:$0x19000] =	vst v63  }
0x1bd: {  	_ =	swait.ge [sflag:s21], $0x4000  }
0x1be: {  	[sflag:s21] =	ssyncset.done $0x0  }
0x1bf: {  	s22 =	rddreg [dreg:$0x7];
	[sflag:s21] =	ssyncadd.s32 $0xFFFFC000  }
0x1c0: {  	[hbm4b:s22+s1] =	stream.linear.scatter [tilespmem:s17], [sflag:$0x9], $0x4000, $0x38;
	[tilespmem:$0x19000] =	vst v63  }
0x1c1: {  	s24 =	rddreg [dreg:$0x1d]  }
0x1c2: {  	[tilespmem:s10], [sflag:$0x6] =	stream.indirect.gather [spmem:s2], $0x80, s24, s5, $0xb8;
	[tilespmem:$0x19000] =	vst v63  }
0x1c3: {  	_ =	swait.ge [sflag:s20], $0x4000  }
0x1c4: {  	[sflag:s20] =	ssyncset.done $0x0  }
0x1c5: {  	s25 =	rddreg [dreg:$0x8];
	[sflag:s20] =	ssyncadd.s32 $0xFFFFC000  }
0x1c6: {  	[hbm4b:s25+s1] =	stream.linear.scatter [tilespmem:s15], [sflag:$0xA], $0x4000, $0x38;
	[tilespmem:$0x19000] =	vst v63  }
0x1c7: {  	_ =	swait.ge [sflag:s7], $0x4000  }
0x1c8: {  	[sflag:s7] =	ssyncset.done $0x0  }
0x1c9: {  	s26 =	rddreg [dreg:$0x1e];
	[sflag:s7] =	ssyncadd.s32 $0xFFFFC000  }
0x1ca: {  	[tilespmem:s4], [sflag:$0x1] =	stream.indirect.gather [spmem:s2], $0x80, s26, s5, $0xb8;
	[tilespmem:$0x19000] =	vst v63  }
0x1cb: {  	_ =	swait.ge [sflag:s19], $0x4000  }
0x1cc: {  	[sflag:s19] =	ssyncset.done $0x0  }
0x1cd: {  	s28 =	rddreg [dreg:$0x9];
	[sflag:s19] =	ssyncadd.s32 $0xFFFFC000  }
0x1ce: {  	[hbm4b:s28+s1] =	stream.linear.scatter [tilespmem:s11], [sflag:$0xB], $0x4000, $0x38;
	[tilespmem:$0x19000] =	vst v63  }
0x1cf: {  	_ =	swait.ge [sflag:s9], $0x4000  }
0x1d0: {  	[sflag:s9] =	ssyncset.done $0x0  }
0x1d1: {  	s31 =	rddreg [dreg:$0x1f];
	[sflag:s9] =	ssyncadd.s32 $0xFFFFC000  }
0x1d2: {  	[tilespmem:s3], [sflag:$0x2] =	stream.indirect.gather [spmem:s2], $0x80, s31, s5, $0xb8;
	[tilespmem:$0x19000] =	vst v63  }
0x1d3: {  	_ =	swait.ge [sflag:s18], $0x4000  }
0x1d4: {  	[sflag:s18] =	ssyncset.done $0x0  }
0x1d5: {  	s22 =	rddreg [dreg:$0xa];
	[sflag:s18] =	ssyncadd.s32 $0xFFFFC000  }
0x1d6: {  	[hbm4b:s22+s1] =	stream.linear.scatter [tilespmem:s10], [sflag:$0xC], $0x4000, $0x38;
	[tilespmem:$0x19000] =	vst v63  }
0x1d7: {  	_ =	swait.ge [sflag:s12], $0x4000  }
0x1d8: {  	s24 =	sld [smem:$0x7F4]  }
0x1d9: {  	[sflag:s12] =	ssyncset.done $0x0  }
0x1da: {  	[sflag:s12] =	ssyncadd.s32 $0xFFFFC000  }
0x1db: {  	[tilespmem:s17], [sflag:$0x3] =	stream.indirect.gather [spmem:s2], $0x80, s24, s5, $0xb8;
	[tilespmem:$0x19000] =	vst v63  }
0x1dc: {  	_ =	swait.ge [sflag:s6], $0x4000  }
0x1dd: {  	[sflag:s6] =	ssyncset.done $0x0  }
0x1de: {  	s25 =	rddreg [dreg:$0xb];
	[sflag:s6] =	ssyncadd.s32 $0xFFFFC000  }
0x1df: {  	[hbm4b:s25+s1] =	stream.linear.scatter [tilespmem:s4], [sflag:$0x7], $0x4000, $0x38;
	[tilespmem:$0x19000] =	vst v63  }
0x1e0: {  	_ =	swait.ge [sflag:s13], $0x4000  }
0x1e1: {  	s26 =	sld [smem:$0x7F5]  }
0x1e2: {  	[sflag:s13] =	ssyncset.done $0x0  }
0x1e3: {  	[sflag:s13] =	ssyncadd.s32 $0xFFFFC000  }
0x1e4: {  	[tilespmem:s15], [sflag:$0x4] =	stream.indirect.gather [spmem:s2], $0x80, s26, s5, $0xb8;
	[tilespmem:$0x19000] =	vst v63  }
0x1e5: {  	_ =	swait.ge [sflag:s8], $0x4000  }
0x1e6: {  	[sflag:s8] =	ssyncset.done $0x0  }
0x1e7: {  	s28 =	rddreg [dreg:$0xc];
	[sflag:s8] =	ssyncadd.s32 $0xFFFFC000  }
0x1e8: {  	[hbm4b:s28+s1] =	stream.linear.scatter [tilespmem:s3], [sflag:$0x8], $0x4000, $0x38;
	[tilespmem:$0x19000] =	vst v63  }
0x1e9: {  	_ =	swait.ge [sflag:s14], $0x4000  }
0x1ea: {  	s31 =	sld [smem:$0x7F6]  }
0x1eb: {  	[sflag:s14] =	ssyncset.done $0x0  }
0x1ec: {  	[sflag:s14] =	ssyncadd.s32 $0xFFFFC000  }
0x1ed: {  	[tilespmem:s11], [sflag:$0x5] =	stream.indirect.gather [spmem:s2], $0x80, s31, s5, $0xb8;
	[tilespmem:$0x19000] =	vst v63  }
0x1ee: {  	_ =	swait.ge [sflag:s21], $0x4000  }
0x1ef: {  	[sflag:s21] =	ssyncset.done $0x0  }
0x1f0: {  	s22 =	rddreg [dreg:$0xd];
	[sflag:s21] =	ssyncadd.s32 $0xFFFFC000  }
0x1f1: {  	[hbm4b:s22+s1] =	stream.linear.scatter [tilespmem:s17], [sflag:$0x9], $0x4000, $0x38;
	[tilespmem:$0x19000] =	vst v63  }
0x1f2: {  	_ =	swait.ge [sflag:s16], $0x4000  }
0x1f3: {  	s24 =	sld [smem:$0x7F7]  }
0x1f4: {  	[sflag:s16] =	ssyncset.done $0x0  }
0x1f5: {  	[sflag:s16] =	ssyncadd.s32 $0xFFFFC000  }
0x1f6: {  	[tilespmem:s10], [sflag:$0x6] =	stream.indirect.gather [spmem:s2], $0x80, s24, s5, $0xb8;
	[tilespmem:$0x19000] =	vst v63  }
0x1f7: {  	_ =	swait.ge [sflag:s20], $0x4000  }
0x1f8: {  	[sflag:s20] =	ssyncset.done $0x0  }
0x1f9: {  	s25 =	rddreg [dreg:$0xe];
	[sflag:s20] =	ssyncadd.s32 $0xFFFFC000  }
0x1fa: {  	[hbm4b:s25+s1] =	stream.linear.scatter [tilespmem:s15], [sflag:$0xA], $0x4000, $0x38;
	[tilespmem:$0x19000] =	vst v63  }
0x1fb: {  	_ =	swait.ge [sflag:s7], $0x4000  }
0x1fc: {  	s26 =	sld [smem:$0x7F8]  }
0x1fd: {  	[sflag:s7] =	ssyncset.done $0x0  }
0x1fe: {  	[sflag:s7] =	ssyncadd.s32 $0xFFFFC000  }
0x1ff: {  	[tilespmem:s4], [sflag:$0x1] =	stream.indirect.gather [spmem:s2], $0x80, s26, s5, $0xb8;
	[tilespmem:$0x19000] =	vst v63  }
0x200: {  	_ =	swait.ge [sflag:s19], $0x4000  }
0x201: {  	[sflag:s19] =	ssyncset.done $0x0  }
0x202: {  	s28 =	rddreg [dreg:$0xf];
	[sflag:s19] =	ssyncadd.s32 $0xFFFFC000  }
0x203: {  	[hbm4b:s28+s1] =	stream.linear.scatter [tilespmem:s11], [sflag:$0xB], $0x4000, $0x38;
	[tilespmem:$0x19000] =	vst v63  }
0x204: {  	_ =	swait.ge [sflag:s9], $0x4000  }
0x205: {  	s31 =	sld [smem:$0x7F9]  }
0x206: {  	[sflag:s9] =	ssyncset.done $0x0  }
0x207: {  	[sflag:s9] =	ssyncadd.s32 $0xFFFFC000  }
0x208: {  	[tilespmem:s3], [sflag:$0x2] =	stream.indirect.gather [spmem:s2], $0x80, s31, s5, $0xb8;
	[tilespmem:$0x19000] =	vst v63  }
0x209: {  	_ =	swait.ge [sflag:s18], $0x4000  }
0x20a: {  	[sflag:s18] =	ssyncset.done $0x0  }
0x20b: {  	s22 =	rddreg [dreg:$0x10];
	[sflag:s18] =	ssyncadd.s32 $0xFFFFC000  }
0x20c: {  	[hbm4b:s22+s1] =	stream.linear.scatter [tilespmem:s10], [sflag:$0xC], $0x4000, $0x38;
	[tilespmem:$0x19000] =	vst v63  }
0x20d: {  	_ =	swait.ge [sflag:s12], $0x4000  }
0x20e: {  	s24 =	sld [smem:$0x7FA]  }
0x20f: {  	[sflag:s12] =	ssyncset.done $0x0  }
0x210: {  	[sflag:s12] =	ssyncadd.s32 $0xFFFFC000  }
0x211: {  	[tilespmem:s17], [sflag:$0x3] =	stream.indirect.gather [spmem:s2], $0x80, s24, s5, $0xb8;
	[tilespmem:$0x19000] =	vst v63  }
0x212: {  	_ =	swait.ge [sflag:s6], $0x4000  }
0x213: {  	[sflag:s6] =	ssyncset.done $0x0  }
0x214: {  	s25 =	rddreg [dreg:$0x11];
	[sflag:s6] =	ssyncadd.s32 $0xFFFFC000  }
0x215: {  	[hbm4b:s25+s1] =	stream.linear.scatter [tilespmem:s4], [sflag:$0x7], $0x4000, $0x38;
	[tilespmem:$0x19000] =	vst v63  }
0x216: {  	_ =	swait.ge [sflag:s13], $0x4000  }
0x217: {  	s26 =	sld [smem:$0x7FB]  }
0x218: {  	[sflag:s13] =	ssyncset.done $0x0  }
0x219: {  	[sflag:s13] =	ssyncadd.s32 $0xFFFFC000  }
0x21a: {  	[tilespmem:s15], [sflag:$0x4] =	stream.indirect.gather [spmem:s2], $0x80, s26, s5, $0xb8;
	[tilespmem:$0x19000] =	vst v63  }
0x21b: {  	_ =	swait.ge [sflag:s8], $0x4000  }
0x21c: {  	[sflag:s8] =	ssyncset.done $0x0  }
0x21d: {  	s28 =	rddreg [dreg:$0x12];
	[sflag:s8] =	ssyncadd.s32 $0xFFFFC000  }
0x21e: {  	[hbm4b:s28+s1] =	stream.linear.scatter [tilespmem:s3], [sflag:$0x8], $0x4000, $0x38;
	[tilespmem:$0x19000] =	vst v63  }
0x21f: {  	_ =	swait.ge [sflag:s14], $0x4000  }
0x220: {  	s31 =	sld [smem:$0x7FC]  }
0x221: {  	[sflag:s14] =	ssyncset.done $0x0  }
0x222: {  	[sflag:s14] =	ssyncadd.s32 $0xFFFFC000  }
0x223: {  	[tilespmem:s11], [sflag:$0x5] =	stream.indirect.gather [spmem:s2], $0x80, s31, s5, $0xb8;
	[tilespmem:$0x19000] =	vst v63  }
0x224: {  	_ =	swait.ge [sflag:s21], $0x4000  }
0x225: {  	[sflag:s21] =	ssyncset.done $0x0  }
0x226: {  	s22 =	rddreg [dreg:$0x13];
	[sflag:s21] =	ssyncadd.s32 $0xFFFFC000  }
0x227: {  	[hbm4b:s22+s1] =	stream.linear.scatter [tilespmem:s17], [sflag:$0x9], $0x4000, $0x38;
	[tilespmem:$0x19000] =	vst v63  }
0x228: {  	_ =	swait.ge [sflag:s16], $0x4000  }
0x229: {  	s24 =	sld [smem:$0x7FD]  }
0x22a: {  	[sflag:s16] =	ssyncset.done $0x0  }
0x22b: {  	[sflag:s16] =	ssyncadd.s32 $0xFFFFC000  }
0x22c: {  	[tilespmem:s10], [sflag:$0x6] =	stream.indirect.gather [spmem:s2], $0x80, s24, s5, $0xb8;
	[tilespmem:$0x19000] =	vst v63  }
0x22d: {  	_ =	swait.ge [sflag:s20], $0x4000  }
0x22e: {  	[sflag:s20] =	ssyncset.done $0x0  }
0x22f: {  	s25 =	rddreg [dreg:$0x14];
	[sflag:s20] =	ssyncadd.s32 $0xFFFFC000  }
0x230: {  	[hbm4b:s25+s1] =	stream.linear.scatter [tilespmem:s15], [sflag:$0xA], $0x4000, $0x38;
	[tilespmem:$0x19000] =	vst v63  }
0x231: {  	_ =	swait.ge [sflag:s7], $0x4000  }
0x232: {  	[sflag:s7] =	ssyncset.done $0x0  }
0x233: {  	[sflag:s7] =	ssyncadd.s32 $0xFFFFC000  }
0x234: {  	[tilespmem:s4], [sflag:$0x1] =	stream.indirect.gather [spmem:s2], $0x80, s23, s5, $0xb8;
	[tilespmem:$0x19000] =	vst v63  }
0x235: {  	_ =	swait.ge [sflag:s19], $0x4000  }
0x236: {  	[sflag:s19] =	ssyncset.done $0x0  }
0x237: {  	s26 =	rddreg [dreg:$0x15];
	[sflag:s19] =	ssyncadd.s32 $0xFFFFC000  }
0x238: {  	[hbm4b:s26+s1] =	stream.linear.scatter [tilespmem:s11], [sflag:$0xB], $0x4000, $0x38;
	[tilespmem:$0x19000] =	vst v63  }
0x239: {  	_ =	swait.ge [sflag:s9], $0x4000  }
0x23a: {  	[sflag:s9] =	ssyncset.done $0x0  }
0x23b: {  	[sflag:s9] =	ssyncadd.s32 $0xFFFFC000  }
0x23c: {  	[tilespmem:s3], [sflag:$0x2] =	stream.indirect.gather [spmem:s2], $0x80, s30, s5, $0xb8;
	[tilespmem:$0x19000] =	vst v63  }
0x23d: {  	_ =	swait.ge [sflag:s18], $0x4000  }
0x23e: {  	[sflag:s18] =	ssyncset.done $0x0  }
0x23f: {  	s28 =	rddreg [dreg:$0x16];
	[sflag:s18] =	ssyncadd.s32 $0xFFFFC000  }
0x240: {  	[hbm4b:s28+s1] =	stream.linear.scatter [tilespmem:s10], [sflag:$0xC], $0x4000, $0x38;
	[tilespmem:$0x19000] =	vst v63  }
0x241: {  	_ =	swait.ge [sflag:s6], $0x4000  }
0x242: {  	[sflag:s6] =	ssyncset.done $0x0  }
0x243: {  	s30 =	rddreg [dreg:$0x17];
	[sflag:s6] =	ssyncadd.s32 $0xFFFFC000  }
0x244: {  	[hbm4b:s30+s1] =	stream.linear.scatter [tilespmem:s4], [sflag:$0x7], $0x4000, $0x38;
	[tilespmem:$0x19000] =	vst v63  }
0x245: {  	_ =	swait.ge [sflag:s8], $0x4000  }
0x246: {  	[sflag:s8] =	ssyncset.done $0x0  }
0x247: {  	s31 =	rddreg [dreg:$0x18];
	[sflag:s8] =	ssyncadd.s32 $0xFFFFC000  }
0x248: {  	[hbm4b:s31+s1] =	stream.linear.scatter [tilespmem:s3], [sflag:$0x8], $0x4000, $0x38;
	[tilespmem:$0x19000] =	vst v63  }
0x249: {  	_ =	swait.ge [sflag:s12], $0x4000  }
0x24a: {  	[sflag:s12] =	ssyncset.done $0x0  }
0x24b: {  	[sflag:s12] =	ssyncadd.s32 $0xFFFFC000  }
0x24c: {  	_ =	swait.ge [sflag:s13], $0x4000  }
0x24d: {  	[sflag:s13] =	ssyncset.done $0x0  }
0x24e: {  	[sflag:s13] =	ssyncadd.s32 $0xFFFFC000  }
0x24f: {  	_ =	swait.ge [sflag:s14], $0x4000  }
0x250: {  	[sflag:s14] =	ssyncset.done $0x0  }
0x251: {  	[sflag:s14] =	ssyncadd.s32 $0xFFFFC000  }
0x252: {  	_ =	swait.ge [sflag:s16], $0x4000  }
0x253: {  	[sflag:s16] =	ssyncset.done $0x0  }
0x254: {  	[sflag:s16] =	ssyncadd.s32 $0xFFFFC000  }
0x255: {  	_ =	swait.ge [sflag:s7], $0x4000  }
0x256: {  	[sflag:s7] =	ssyncset.done $0x0  }
0x257: {  	[sflag:s7] =	ssyncadd.s32 $0xFFFFC000  }
0x258: {  	_ =	swait.ge [sflag:s9], $0x4000  }
0x259: {  	[sflag:s9] =	ssyncset.done $0x0  }
0x25a: {  	[sflag:s9] =	ssyncadd.s32 $0xFFFFC000  }
0x25b: {  	_ =	sfence.sel $0x180000  }
0x25c: {  	[bflag:$0x0] =	sbarrier.arrive $0xFFFF  }
0x25d: {  	_ =	strace $0x90000047  }
0x25e: {  	s0 =	sadd.s32 @!p0 $0x100000, s29;
	[bflag:$0x2] =	sbarrier.arrive $0xFFFF  }
0x25f: {  	[sflag:s0] =	ssyncadd.tile.s32 @!p0 $0x1;
	_ =	shalt  }
.LBB2_1:
.Ltmp3:
0x260: {  	(pc) =	sbr.rel .LBB2_6-.Ltmp3, $2  }
0x261: {  	_ =	sdelay $0x2  }
0x262: {  	s30 =	simm.s32 $0xD80  }
.LBB2_3:
.Ltmp4:
0x263: {  	(pc) =	sbr.rel .LBB2_6-.Ltmp4, $2  }
0x264: {  	_ =	sdelay $0x2  }
0x265: {  	s30 =	simm.s32 $0xD80;
	s29 =	rddreg [dreg:$0x3]  }
.Lfunc_end2:
_tile_overlayer_lowered:
.L_overlay_start_2:
0x266: {  	(tag) =	ssettag $0x2  }
0x267: {  	s0 =	rddreg [dreg:$0x0];
	s2 =	stileid.u32  }
0x268: {  	s1 =	rddreg [dreg:$0x1];
	p0 =	sne.s32 s2, $0x0  }
0x269: {  	s3 =	rddreg [dreg:$0x2];
	[bflag:$0x3] =	sbarrier.arrive $0xFFFF;
	s2 =	simm.s32 @!p0 $0x1C0D  }
0x26a: {  	[timem:s3], [sflag:s2] =	dma.local @!p0 [hbm:s0], s1  }
0x26b: {  	s0 =	simm.s32 @!p0 $0xD  }
0x26c: {  	_ =	swait.ge @!p0 [sflag:s0], s1  }
0x26d: {  	s1 =	ssub.s32 @!p0 $0x0, s1;
	[sflag:s0] =	ssyncset.done @!p0 $0x0  }
0x26e: {  	[sflag:s0] =	ssyncadd.s32 @!p0 s1  }
0x26f: {  	[bflag:$0x3] =	sbarrier.arrive $0xFFFF  }
0x270: {  	_ =	shalt  }

// kernel: sparse-core-data-format-call.cloned.1.call-start
scs
called_computation_lowered:
.L_overlay_start_0:
0x0: {  	s2 =	sld [smem:$0x3FD9]  }
0x1: {  	s3 =	sld [smem:$0x3FFE];
	_ =	sdelay $0x1  }
0x2: {  	s1 =	srdreg.scid  }
0x3: {  	s0 =	sand.u32 $0x1, s1  }
0x4: {  	s18 =	sshll.u32 s0, $0xA;
	s2 =	sadd.s32 s3, s2  }
0x5: {  	s2 =	sadd.s32 s2, s18  }
0x6: {  	[smem:$0x3FC6] =	sst s2  }
0x7: {  	_ = 	snop  }
0x8: {  	s2 =	sld [smem:$0x3FD0];
	(tm) =	ssettm $0x1  }
0x9: {  	s19 =	sld [smem:$0x3FFB];
	_ =	sdelay $0x3  }
0xa: {  	_ =	strace s19  }
0xb: {  	s3 =	sld [smem:$0x3FFC];
	_ =	sdelay $0x3  }
0xc: {  	_ =	strace s3  }
0xd: {  	s3 =	sld [smem:$0x3FFD];
	_ =	sdelay $0x3  }
0xe: {  	_ =	strace s3  }
0xf: {  	_ =	strace $0x8FFFFFFF  }
0x10: {  	s20 =	sld [smem:$0x3FDB];
	_ =	sdelay $0x1  }
0x11: {  	s4 =	simm.s32 $_scs_section_size  }
0x12: {  	s5 =	simm.s32 $_size__tile_overlayer_lowered;
	s6 =	simm.s32 $_tile_overlayer_lowered  }
0x13: {  	s23 =	simm.s32 $0x1BFF;
	s22 =	sshll.u32 s6, $0x1;
	s3 =	sadd.s32 s4, s20  }
0x14: {  	s7 =	simm.s32 $0x0;
	s21 =	sshll.u32 s5, $0x1;
	s5 =	sadd.s32 s22, s3  }
0x15: {  	[timem:s7], [sflag:s23] =	dma.local [hbm:s5], s21  }
0x16: {  	_ =	swait.ge [sflag:s23], s21  }
0x17: {  	s4 =	ssub.s32 $0x0, s21;
	[sflag:s23] =	ssyncset.done $0x0  }
0x18: {  	[sflag:s23] =	ssyncadd.s32 s4;
	_ =	sdelay $0x1  }
0x19: {  	s24 =	simm.s32 $0x1B8B  }
0x1a: {  	_ =	swait.ge [sflag:s24], $0x1  }
0x1b: {  	[sflag:s24] =	ssyncset.done $0x0  }
0x1c: {  	s26 =	simm.s32 $0x1B8E;
	s25 =	sld [smem:$0x3FFE];
	[sflag:s24] =	ssyncadd.s32 $0xFFFFFFFF  }
0x1d: {  	s27 =	simm.s32 $execute0_lowered;
	[smem:$0x3FD2] =	sst s26  }
0x1e: {  	s5 =	sshll.u32 s27, $0x1;
	_ =	strace $0x80000049;
	[dreg:$0x1] =	wrdreg $0xFFFFFFFF  }
0x1f: {  	s28 =	simm.s32 $_size_execute0_lowered;
	s3 =	sadd.s32 s3, s5;
	[dreg:$0x0] =	wrdreg $0x0  }
0x20: {  	s5 =	sshll.u32 s28, $0x1;
	[dreg:$0x2] =	wrdreg s3  }
0x21: {  	[dreg:$0x3] =	wrdreg s5  }
0x22: {  	[dreg:$0x4] =	wrdreg $0xC0  }
0x23: {  	_ =	task [dreg:s7], $0x5FFFF  }
0x24: {  	[dreg:$0x1] =	wrdreg $0xFFFFFFFF  }
0x25: {  	[dreg:$0x0] =	wrdreg $0x60  }
0x26: {  	[dreg:$0x2] =	wrdreg s25  }
0x27: {  	[dreg:$0x3] =	wrdreg s2  }
0x28: {  	[dreg:$0x4] =	wrdreg $0x9  }
0x29: {  	_ =	task.clear_ibuf [dreg:s7], $0x5FFFF;
	_ =	strace $0x90000049  }
0x2a: {  	s29 =	simm.s32 $0x9;
	_ =	strace $0x8000004B  }
0x2b: {  	_ =	swait.ge [sflag:s29], $0x1  }
0x2c: {  	[sflag:s29] =	ssyncadd.s32 $0xFFFFFFFF  }
0x2d: {  	_ =	strace $0x9000004B  }
0x2e: {  	_ =	sfence  }
0x2f: {  	s30 =	sld [smem:$0x0];
	_ =	sdelay $0x2  }
0x30: {  	s31 =	sshll.u32 s1, $0xD;
	s1 =	sshrl.u32 s1, $0x2  }
0x31: {  	s3 =	sand.u32 $0x4000, s31;
	s1 =	sadd.s32 s1, s30  }
0x32: {  	s0 =	sor.u32 s3, s0;
	s1 =	sshll.u32 s1, $0x11  }
0x33: {  	s0 =	sor.u32 s1, s0  }
0x34: {  	s0 =	sadd.s32 $0x8F2B, s0  }
0x35: {  	[sflag:s0] =	ssyncadd.remote.s32 $0x1  }
0x36: {  	_ =	sfence.sel $0xFFFF  }
0x37: {  	[dreg:$0x0] =	wrdreg $0xFFFFFFFF;
	(pc) =	sbr.abs _section_cstart, $3  }
0x38: {  	[dreg:$0x1] =	wrdreg $0xFFFFFFFF  }
0x39: {  	_ =	task.clear_ibuf [dreg:s7], $0x2FFFF;
	_ =	strace $0x9FFFFFFF  }
0x3a: {  	(tm) =	ssettm $0x7FFFFFFF  }
0x3b: {  	_ =	shalt  }
tec
execute0_lowered:
.L_overlay_start_1:
0x0: {  	(tag) =	ssettag $0x1  }
0x1: {  	s0 =	srdreg.scid  }
0x2: {  	s1 =	sshll.u32 s0, $0x4  }
0x3: {  	s0 =	stileid.u32;
	s1 =	sand.u32 $0x10, s1  }
0x4: {  	s1 =	sor.u32 s0, s1  }
0x5: {  	s6 =	rddreg [dreg:$0x0];
	s4 =	simm.s32 $0x1;
	s2 =	sshll.u32 s1, $0x7  }
0x6: {  	s7 =	simm.s32 $0x2;
	s8 =	simm.s32 $0x0;
	s1 =	ssub.s32 $0x4000, s2  }
0x7: {  	s9 =	simm.s32 $0x0;
	s13 =	simm.s32 $0x0;
	s3 =	sand.u32 $0xF80, s1  }
0x8: {  	s14 =	simm.s32 $0x0;
	s5 =	sshrl.u32 s1, $0xC;
	p0 =	sne.s32 s3, $0x0  }
.Ltmp0:
0x9: {  	s1 =	rddreg [dreg:$0x2];
	s4 =	simm.s32 @!p0 $0x0;
	(pc) =	sbr.rel .LBB1_1-.Ltmp0, $4  }
0xa: {  	s10 =	simm.s32 $0x0;
	s3 =	rddreg [dreg:$0x1];
	s5 =	sadd.s32 s4, s5  }
0xb: {  	_ =	strace $0x8000004A;
	s4 =	simm.s32 $0x1;
	s5 =	smul.u32 $0x5, s5  }
0xc: {  	s12 =	simm.s32 $0x0;
	s6 =	sadd.s32 $0x800, s6;
	[sflag:s4] =	ssyncpa.u1 $0x0  }
0xd: {  	s11 =	smov.u32 s2;
	[sflag:s7] =	ssyncpa.u1 $0x0;
	s7 =	sadd.s32 $0x1, s5  }
.LBB1_4:
0xe: {  	_ =	sdelay $0x3  }
0xf: {  	[tilespmem:v0+s16+$0xFFFFFFD0 ss:$0x1] =	vst.idx.msk $0xffff, v6  }
0x10: {  	v56 =	vld.idx.msk [tilespmem:v1+s17+$0x0 ss:$0x1], $0xffff;
	[tilespmem:v0+s16+$0xFFFFFFE0 ss:$0x1] =	vst.idx.msk $0xffff, v4  }
0x11: {  	v57 =	vld.idx.msk [tilespmem:v1+s17+$0xFFFFFF90 ss:$0x1], $0xffff;
	[tilespmem:v0+s16+$0xFFFFFFF0 ss:$0x1] =	vst.idx.msk $0xffff, v2  }
0x12: {  	v58 =	vld.idx.msk [tilespmem:v1+s17+$0xFFFFFFA0 ss:$0x1], $0xffff;
	[tilespmem:v0+s16+$0x0 ss:$0x1] =	vst.idx.msk $0xffff, v3  }
0x13: {  	v59 =	vld.idx.msk [tilespmem:v1+s17+$0xFFFFFFB0 ss:$0x1], $0xffff;
	[tilespmem:v0+s16+$0x10 ss:$0x1] =	vst.idx.msk $0xffff, v5  }
0x14: {  	v60 =	vld.idx.msk [tilespmem:v1+s17+$0xFFFFFFC0 ss:$0x1], $0xffff;
	[tilespmem:v0+s16+$0x20 ss:$0x1] =	vst.idx.msk $0xffff, v7  }
0x15: {  	v61 =	vld.idx.msk [tilespmem:v1+s17+$0xFFFFFFD0 ss:$0x1], $0xffff;
	[tilespmem:v0+s17+$0x30 ss:$0x1] =	vst.idx.msk $0xffff, v56  }
0x16: {  	v62 =	vld.idx.msk [tilespmem:v1+s17+$0xFFFFFFE0 ss:$0x1], $0xffff;
	[tilespmem:v0+s17+$0xFFFFFFC0 ss:$0x1] =	vst.idx.msk $0xffff, v57  }
0x17: {  	v63 =	vld.idx.msk [tilespmem:v1+s17+$0xFFFFFFF0 ss:$0x1], $0xffff;
	[tilespmem:v0+s17+$0xFFFFFFD0 ss:$0x1] =	vst.idx.msk $0xffff, v58  }
0x18: {  	[tilespmem:v0+s17+$0xFFFFFFE0 ss:$0x1] =	vst.idx.msk $0xffff, v59  }
0x19: {  	s14 =	sshll.u32 s14, $0x4;
	[tilespmem:v0+s17+$0xFFFFFFF0 ss:$0x1] =	vst.idx.msk $0xffff, v60  }
0x1a: {  	s14 =	sand.u32 $0x3FFF0, s14;
	[tilespmem:v0+s17+$0x0 ss:$0x1] =	vst.idx.msk $0xffff, v61  }
0x1b: {  	s13 =	sshll.u32 s13, $0x12;
	s14 =	sadd.s32 s3, s14;
	[tilespmem:v0+s17+$0x10 ss:$0x1] =	vst.idx.msk $0xffff, v62  }
0x1c: {  	s13 =	sadd.s32 s13, s14;
	[tilespmem:v0+s17+$0x20 ss:$0x1] =	vst.idx.msk $0xffff, v63  }
0x1d: {  	[hbm4b:s13+s8] =	stream.linear.scatter [tilespmem:s15], [sflag:$0x2], $0x4000, $0x38;
	[tilespmem:$0x10000] =	vst v63  }
.LBB1_5:
0x1e: {  	s15 =	sadd.s32 $0x1, s10  }
0x1f: {  	s13 =	sadd.s32 $0x1000, s11;
	s17 =	smov.u32 s11;
	p1 =	sgt.s32 s15, $0x4  }
0x20: {  	s17 =	smov.u32 @p1 s13  }
0x21: {  	s15 =	simm.s32 @p1 $0x0;
	p1 =	sgt.s32 s17, $0x3FFF  }
0x22: {  	s17 =	smov.u32 @p1 s2;
	p1 =	sne.s32 s12, s7  }
.Ltmp1:
0x23: {  	p0 =	slt.u32 s12, $0x2;
	(pc) =	sbr.rel @!p1 .LBB1_6-.Ltmp1, $4  }
0x24: {  	s16 =	simm.s32 @!p0 $0x2  }
0x25: {  	s14 =	smov.u32 s11;
	s9 =	sadd.s32 $0x4000, s9;
	_ =	swait.ge @!p0 [sflag:s16], $0x4000  }
0x26: {  	s13 =	smov.u32 s10;
	[sflag:s16] =	ssyncset.done @!p0 $0x0;
	s10 =	smov.u32 s15  }
0x27: {  	s12 =	sadd.s32 $0x1, s12;
	[sflag:s16] =	ssyncadd.s32 @!p0 $0xFFFFC000;
	s11 =	smov.u32 s17  }
.LBB1_1:
0x28: {  	p0 =	sge.u32 s12, s5  }
0x29: {  	s31 =	sadd.s32 $0xFFFFFFFF, s12;
	s15 =	sxor.u32 @!p0 $0xFFFFFFFF, s12  }
0x2a: {  	s16 =	sshll.u32 @!p0 s11, $0x7;
	s17 =	sshll.u32 @!p0 s10, $0x4;
	s18 =	simm.s32 @!p0 $0x400  }
0x2b: {  	s15 =	sshll.u32 @!p0 s15, $0xE;
	s17 =	sand.u32 @!p0 $0x70, s17;
	s16 =	sadd.s32 @!p0 s6, s16  }
0x2c: {  	s15 =	sand.u32 @!p0 $0x4000, s15;
	s16 =	sadd.s32 @!p0 s17, s16;
	s17 =	simm.s32 @!p0 $0x80  }
0x2d: {  	[tilespmem:s15], [sflag:$0x1] =	stream.strided.gather @!p0 [hbm4b:s16+s17], $0x4000, s18, s17, $0x38;
	[tilespmem:$0x10000] =	vst v63  }
0x2e: {  	p0 =	sge.u32 s31, s5  }
.Ltmp2:
0x2f: {  	_ = 	snop;
	(pc) =	sbr.rel @p0 .LBB1_5-.Ltmp2, $1  }
0x30: {  	_ =	sdelay $0x3  }
0x31: {  	s15 =	sand.u32 $0x4000, s9  }
0x32: {  	s16 =	sor.u32 $0x70, s15  }
0x33: {  	v1 =	vmov s16;
	_ =	sdelay $0x1  }
0x34: {  	_ =	swait.ge [sflag:s4], $0x4000  }
0x35: {  	[sflag:s4] =	ssyncset.done $0x0  }
0x36: {  	[sflag:s4] =	ssyncadd.s32 $0xFFFFC000;
	s16 =	simm.s32 $0x0  }
0x37: {  	s15 =	sor.u32 $0x8040, s15;
	v7 =	vld.idx.msk [tilespmem:v1+s16+$0x0 ss:$0x1], $0xffff  }
0x38: {  	v0 =	vmov s15;
	v8 =	vld.idx.msk [tilespmem:v1+s16+$0xFFFFFF90 ss:$0x1], $0xffff  }
0x39: {  	v6 =	vld.idx.msk [tilespmem:v1+s16+$0xFFFFFFA0 ss:$0x1], $0xffff  }
0x3a: {  	v4 =	vld.idx.msk [tilespmem:v1+s16+$0xFFFFFFB0 ss:$0x1], $0xffff  }
0x3b: {  	v2 =	vld.idx.msk [tilespmem:v1+s16+$0xFFFFFFC0 ss:$0x1], $0xffff  }
0x3c: {  	s31 =	sshll.u32 s12, $0xE;
	v3 =	vld.idx.msk [tilespmem:v1+s16+$0xFFFFFFD0 ss:$0x1], $0xffff  }
0x3d: {  	s15 =	sand.u32 $0x4000, s31;
	v5 =	vld.idx.msk [tilespmem:v1+s16+$0xFFFFFFE0 ss:$0x1], $0xffff;
	[tilespmem:v0+s16+$0x30 ss:$0x1] =	vst.idx.msk $0xffff, v7  }
0x3e: {  	s17 =	simm.s32 $0x80;
	s18 =	simm.s32 $0x400;
	s15 =	sor.u32 $0x8000, s15;
	[tilespmem:v0+s16+$0xFFFFFFC0 ss:$0x1] =	vst.idx.msk $0xffff, v8;
	v7 =	vld.idx.msk [tilespmem:v1+s16+$0xFFFFFFF0 ss:$0x1], $0xffff  }
.LBB1_3:
0x3f: {  	p0 =	sne.s32 s18, $0xFE00;
	v8 =	vld.idx.msk [tilespmem:v1+s17+$0x0 ss:$0x1], $0xffff;
	[tilespmem:v0+s16+$0xFFFFFFD0 ss:$0x1] =	vst.idx.msk $0xffff, v6  }
0x40: {  	v9 =	vld.idx.msk [tilespmem:v1+s17+$0xFFFFFF90 ss:$0x1], $0xffff;
	[tilespmem:v0+s16+$0xFFFFFFE0 ss:$0x1] =	vst.idx.msk $0xffff, v4  }
0x41: {  	v6 =	vld.idx.msk [tilespmem:v1+s17+$0xFFFFFFA0 ss:$0x1], $0xffff;
	[tilespmem:v0+s16+$0xFFFFFFF0 ss:$0x1] =	vst.idx.msk $0xffff, v2  }
.Ltmp3:
0x42: {  	v4 =	vld.idx.msk [tilespmem:v1+s17+$0xFFFFFFB0 ss:$0x1], $0xffff;
	[tilespmem:v0+s16+$0x0 ss:$0x1] =	vst.idx.msk $0xffff, v3;
	(pc) =	sbr.rel @p0 .LBB1_3-.Ltmp3, $4  }
0x43: {  	v2 =	vld.idx.msk [tilespmem:v1+s17+$0xFFFFFFC0 ss:$0x1], $0xffff;
	[tilespmem:v0+s16+$0x10 ss:$0x1] =	vst.idx.msk $0xffff, v5  }
0x44: {  	v3 =	vld.idx.msk [tilespmem:v1+s17+$0xFFFFFFD0 ss:$0x1], $0xffff;
	[tilespmem:v0+s16+$0x20 ss:$0x1] =	vst.idx.msk $0xffff, v7;
	s16 =	smov.u32 s17  }
0x45: {  	v5 =	vld.idx.msk [tilespmem:v1+s16+$0xFFFFFFE0 ss:$0x1], $0xffff;
	[tilespmem:v0+s16+$0x30 ss:$0x1] =	vst.idx.msk $0xffff, v8  }
0x46: {  	s17 =	sshra.s32 s18, $0x2;
	s18 =	sadd.s32 $0x200, s18;
	[tilespmem:v0+s16+$0xFFFFFFC0 ss:$0x1] =	vst.idx.msk $0xffff, v9;
	v7 =	vld.idx.msk [tilespmem:v1+s16+$0xFFFFFFF0 ss:$0x1], $0xffff  }
.Ltmp4:
0x47: {  	_ = 	snop;
	(pc) =	sbr.rel .LBB1_4-.Ltmp4, $1  }
0x48: {  	_ =	sdelay $0x3  }
.LBB1_6:
0x49: {  	_ =	sfence.sel $0x180000  }
0x4a: {  	s2 =	simm.s32 $0x1;
	[bflag:$0x0] =	sbarrier.arrive $0xFFFF  }
0x4b: {  	s31 =	simm.s32 $0x2;
	[sflag:s2] =	ssyncpa.u1 $0x1  }
0x4c: {  	[sflag:s31] =	ssyncpa.u1 $0x1  }
0x4d: {  	p0 =	sne.s32 s0, $0x0;
	_ =	strace $0x9000004A  }
0x4e: {  	s0 =	sadd.s32 @!p0 $0x100000, s1;
	[bflag:$0x2] =	sbarrier.arrive $0xFFFF  }
0x4f: {  	[sflag:s0] =	ssyncadd.tile.s32 @!p0 $0x1;
	_ =	shalt  }
.Lfunc_end1:
_tile_overlayer_lowered:
.L_overlay_start_2:
0x50: {  	(tag) =	ssettag $0x2  }
0x51: {  	s0 =	rddreg [dreg:$0x0];
	s2 =	stileid.u32  }
0x52: {  	s1 =	rddreg [dreg:$0x1];
	p0 =	sne.s32 s2, $0x0  }
0x53: {  	s3 =	rddreg [dreg:$0x2];
	[bflag:$0x3] =	sbarrier.arrive $0xFFFF;
	s2 =	simm.s32 @!p0 $0x1C01  }
0x54: {  	[timem:s3], [sflag:s2] =	dma.local @!p0 [hbm:s0], s1  }
0x55: {  	s0 =	simm.s32 @!p0 $0x1  }
0x56: {  	_ =	swait.ge @!p0 [sflag:s0], s1  }
0x57: {  	s1 =	ssub.s32 @!p0 $0x0, s1;
	[sflag:s0] =	ssyncset.done @!p0 $0x0  }
0x58: {  	[sflag:s0] =	ssyncadd.s32 @!p0 s1  }
0x59: {  	[bflag:$0x3] =	sbarrier.arrive $0xFFFF  }
0x5a: {  	_ =	shalt  }

</sc_bundles>
